<compile_context>
chip_gen: v7x
topology: tpu7x:2x2x1
jax: 0.10.2.dev20260603
libtpu: 0.0.44.dev20260713+nightly
codegen_flags: <defaults>
</compile_context>

<pallas_src>
import functools

import jax
import jax.numpy as jnp
from jax import lax
from jax.experimental import pallas as pl
from jax.experimental.pallas import tpu as pltpu
from jax.experimental.pallas import tpu_sc as plsc

DIM = 64
PDIM = 128
BATCH = 16384
HIST = 50
B = BATCH * HIST

_info = plsc.get_sparse_core_info()
NC = _info.num_cores
NS = _info.num_subcores
NW = NC * NS
ROWS_PER_W = BATCH // NW
B_PER_W = ROWS_PER_W * HIST
CHUNK = 128
N_CHUNKS = B_PER_W // CHUNK
NBUF = 4
N_OUTER = N_CHUNKS // NBUF
L = 16

_mesh = plsc.VectorSubcoreMesh(core_axis_name="c", subcore_axis_name="s")


@functools.partial(
    pl.kernel,
    mesh=_mesh,
    out_type=jax.ShapeDtypeStruct((B, PDIM), jnp.float32),
    scratch_types=[
        pltpu.VMEM((ROWS_PER_W, HIST), jnp.int32),
        pltpu.VMEM((B_PER_W,), jnp.int32),
        *[pltpu.VMEM((CHUNK, PDIM), jnp.float32) for _ in range(NBUF)],
        *[pltpu.SemaphoreType.DMA for _ in range(2 * NBUF)],
    ],
    compiler_params=pltpu.CompilerParams(use_tc_tiling_on_sc=False),
)
def _gather(idx_hbm, table_hbm, out_hbm, idx2d, idx_flat,
            r0, r1, r2, r3, g0, g1, g2, g3, s0, s1, s2, s3):
    rows = (r0, r1, r2, r3)
    semG = (g0, g1, g2, g3)
    semS = (s0, s1, s2, s3)
    wid = lax.axis_index("s") * NC + lax.axis_index("c")
    base = wid * B_PER_W

    pltpu.sync_copy(idx_hbm.at[pl.ds(wid * ROWS_PER_W, ROWS_PER_W)], idx2d)

    @pl.loop(0, ROWS_PER_W, unroll=8)
    def _flatten(r):
        off = r * HIST
        idx_flat[pl.ds(off, L)] = idx2d[r, pl.ds(0, L)]
        idx_flat[pl.ds(off + L, L)] = idx2d[r, pl.ds(L, L)]
        idx_flat[pl.ds(off + 2 * L, L)] = idx2d[r, pl.ds(2 * L, L)]
        idx_flat[pl.ds(off + HIST - L, L)] = idx2d[r, pl.ds(HIST - L, L)]

    def start_gather(i, b):
        pltpu.async_copy(
            table_hbm.at[idx_flat.at[pl.ds(i * CHUNK, CHUNK)]], rows[b], semG[b])

    def wait_gather(i, b):
        pltpu.make_async_copy(
            table_hbm.at[idx_flat.at[pl.ds(i * CHUNK, CHUNK)]], rows[b], semG[b]).wait()

    def start_store(i, b):
        pltpu.async_copy(
            rows[b].at[:, pl.ds(0, DIM)],
            out_hbm.at[pl.ds(base + i * CHUNK, CHUNK), pl.ds(0, DIM)], semS[b])

    def wait_store(i, b):
        pltpu.make_async_copy(
            rows[b].at[:, pl.ds(0, DIM)],
            out_hbm.at[pl.ds(base + i * CHUNK, CHUNK), pl.ds(0, DIM)], semS[b]).wait()

    for b in range(NBUF):
        start_gather(b, b)
    wait_gather(0, 0)
    start_store(0, 0)
    wait_gather(1, 1)
    start_store(1, 1)

    @pl.loop(1, N_OUTER)
    def _body(g):
        for b in range(NBUF):
            i = g * NBUF + b
            wait_store(i - NBUF, b)
            start_gather(i, b)
            bj = (b + 2) % NBUF
            wait_gather(i - 2, bj)
            start_store(i - 2, bj)

    n = N_CHUNKS
    wait_gather(n - 2, (n - 2) % NBUF)
    start_store(n - 2, (n - 2) % NBUF)
    wait_gather(n - 1, (n - 1) % NBUF)
    start_store(n - 1, (n - 1) % NBUF)
    for k in range(NBUF):
        i = n - NBUF + k
        wait_store(i, i % NBUF)


def kernel(tokens, table):
    table_p = jnp.pad(table, ((0, 0), (0, PDIM - DIM)))
    out_p = _gather(tokens, table_p)
    return out_p[:, :DIM]

# --- scband reference (transcript-rebuilt; emitter-appended) ---
"""Pipeline reference for scband-embed-51831665328518 (READ-ONLY COPY).

The authoritative reference and input builder live on the scoring server;
editing this copy changes nothing except your own understanding.
"""

import jax, jax.numpy as jnp
import numpy as np

VOCAB = 1000000
DIM = 64
BATCH = 16384
HIST = 50


def setup_inputs(seed: int = 0) -> dict:
    key = jax.random.key(seed)
    k_tok, k_tab = jax.random.split(key)
    tokens = jax.random.randint(k_tok, (BATCH, HIST), 0, VOCAB, dtype=jnp.int64 if jax.config.jax_enable_x64 else jnp.int32)
    table = jax.random.normal(k_tab, (VOCAB, DIM), dtype=jnp.float32) * 0.02
    return {"tokens": tokens, "table": table}


def reference(tokens, table):
    # Embed.forward with fine_tune=True: embeds = self.embed(tokens.view(-1).long())
    flat = tokens.reshape(-1)
    embeds = jnp.take(table, flat, axis=0)
    return embeds

if __name__ == "__main__":
    import jax
    _d = setup_inputs()
    print(jax.jit(kernel)(*tuple(_d.values())))

</pallas_src>

<mosaic_0001>
#map = affine_map<(d0, d1) -> (0, 0)>
module attributes {stable_mosaic.version = 14 : i64} {
  func.func @_gather(%arg0: i32, %arg1: i32, %arg2: memref<16384x50xi32, #tpu.memory_space<hbm>>, %arg3: memref<1000000x128xf32, #tpu.memory_space<hbm>>, %arg4: memref<819200x128xf32, #tpu.memory_space<hbm>>, %arg5: memref<512x50xi32, #tpu.memory_space<vmem>>, %arg6: memref<25600xi32, #tpu.memory_space<vmem>>, %arg7: memref<128x128xf32, #tpu.memory_space<vmem>>, %arg8: memref<128x128xf32, #tpu.memory_space<vmem>>, %arg9: memref<128x128xf32, #tpu.memory_space<vmem>>, %arg10: memref<128x128xf32, #tpu.memory_space<vmem>>, %arg11: memref<!tpu.dma_semaphore, #tpu.memory_space<semaphore_mem>>, %arg12: memref<!tpu.dma_semaphore, #tpu.memory_space<semaphore_mem>>, %arg13: memref<!tpu.dma_semaphore, #tpu.memory_space<semaphore_mem>>, %arg14: memref<!tpu.dma_semaphore, #tpu.memory_space<semaphore_mem>>, %arg15: memref<!tpu.dma_semaphore, #tpu.memory_space<semaphore_mem>>, %arg16: memref<!tpu.dma_semaphore, #tpu.memory_space<semaphore_mem>>, %arg17: memref<!tpu.dma_semaphore, #tpu.memory_space<semaphore_mem>>, %arg18: memref<!tpu.dma_semaphore, #tpu.memory_space<semaphore_mem>>) attributes {dimension_semantics = [#tpu.dimension_semantics<core_parallel>, #tpu.dimension_semantics<subcore_parallel>], iteration_bounds = array<i64: 2, 16>, scalar_prefetch = 0 : i64, scratch_operands = 14 : i64, tpu.core_type = #tpu.core_type<sc_vector_subcore>, window_params = [{transform_indices = #map}, {transform_indices = #map}, {transform_indices = #map}]} {
    %mul3A = arith.constant 2 : i32
    %mul3A_0 = arith.muli %arg1, %mul3A : i32
    %add3A = arith.addi %mul3A_0, %arg0 : i32
    %mul3A_1 = arith.constant 25600 : i32
    %mul3A_2 = arith.muli %add3A, %mul3A_1 : i32
    %mul3A_3 = arith.constant 512 : i32
    %mul3A_4 = arith.muli %add3A, %mul3A_3 : i32
    "tpu.region"() ({
      %run_scoped3A = tpu.sem_alloc : memref<!tpu.dma_semaphore, #tpu.memory_space<semaphore_mem>>
      %dma_start3A_148 = arith.constant 0 : i32
      %dma_start3A_149 = tpu.memref_slice %arg2[%mul3A_4, %dma_start3A_148] : memref<16384x50xi32, #tpu.memory_space<hbm>> -> memref<512x50xi32, #tpu.memory_space<hbm>>
      %dma_start3A_150 = arith.constant 0 : i32
      %dma_start3A_151 = tpu.memref_slice %arg2[%mul3A_4, %dma_start3A_150] : memref<16384x50xi32, #tpu.memory_space<hbm>> -> memref<512x50xi32, #tpu.memory_space<hbm>>
      tpu.enqueue_dma source(%dma_start3A_151 : memref<512x50xi32, #tpu.memory_space<hbm>>) target(%arg5 : memref<512x50xi32, #tpu.memory_space<vmem>>) target_semaphore(%run_scoped3A : memref<!tpu.dma_semaphore, #tpu.memory_space<semaphore_mem>>)
      %dma_wait3A_152 = arith.constant 0 : i32
      %dma_wait3A_153 = tpu.memref_slice %arg2[%mul3A_4, %dma_wait3A_152] : memref<16384x50xi32, #tpu.memory_space<hbm>> -> memref<512x50xi32, #tpu.memory_space<hbm>>
      %dma_wait3A_154 = arith.constant 0 : i32
      %dma_wait3A_155 = tpu.memref_slice %arg2[%mul3A_4, %dma_wait3A_154] : memref<16384x50xi32, #tpu.memory_space<hbm>> -> memref<512x50xi32, #tpu.memory_space<hbm>>
      tpu.wait_dma2 semaphore(%run_scoped3A : memref<!tpu.dma_semaphore, #tpu.memory_space<semaphore_mem>>) src(%dma_wait3A_155 : memref<512x50xi32, #tpu.memory_space<hbm>>) dst(%arg5 : memref<512x50xi32, #tpu.memory_space<vmem>>)
      tpu.yield
    }) : () -> ()
    %scan3A = arith.constant 0 : i32
    %scan3A_5 = arith.constant 512 : i32
    %scan3A_6 = arith.addi %scan3A, %scan3A_5 : i32
    %scan3A_7 = arith.constant 8 : i32
    scf.for %scan3A_148 = %scan3A to %scan3A_6 step %scan3A_7  : i32 {
      %mul3A_149 = arith.constant 1 : i32
      %mul3A_150 = arith.muli %scan3A_148, %mul3A_149 : i32
      %add3A_151 = arith.constant 0 : i32
      %add3A_152 = arith.addi %add3A_151, %mul3A_150 : i32
      %mul3A_153 = arith.constant 50 : i32
      %mul3A_154 = arith.muli %add3A_152, %mul3A_153 : i32
      %get3A = arith.index_cast %add3A_152 : i32 to index
      %get3A_155 = arith.constant 0 : index
      %get3A_156 = tpu.vector_load %arg5[%get3A, %get3A_155] {strides = array<i32>} : memref<512x50xi32, #tpu.memory_space<vmem>>, vector<1x16xi32>,
      %get3A_157 = vector.shape_cast %get3A_156 : vector<1x16xi32> to vector<16xi32>
      %swap3A = arith.index_cast %mul3A_154 : i32 to index
      %swap3A_158 = tpu.vector_load %arg6[%swap3A] {strides = array<i32>} : memref<25600xi32, #tpu.memory_space<vmem>>, vector<16xi32>,
      %swap3A_159 = vector.shape_cast %swap3A_158 : vector<16xi32> to vector<16xi32>
      %swap3A_160 = vector.shape_cast %get3A_157 : vector<16xi32> to vector<16xi32>
      tpu.vector_store %arg6[%swap3A], %swap3A_160 {strides = array<i32>} : memref<25600xi32, #tpu.memory_space<vmem>>, vector<16xi32>,
      %get3A_161 = arith.index_cast %add3A_152 : i32 to index
      %get3A_162 = arith.constant 16 : index
      %get3A_163 = tpu.vector_load %arg5[%get3A_161, %get3A_162] {strides = array<i32>} : memref<512x50xi32, #tpu.memory_space<vmem>>, vector<1x16xi32>,
      %get3A_164 = vector.shape_cast %get3A_163 : vector<1x16xi32> to vector<16xi32>
      %add3A_165 = arith.constant 16 : i32
      %add3A_166 = arith.addi %mul3A_154, %add3A_165 : i32
      %swap3A_167 = arith.index_cast %add3A_166 : i32 to index
      %swap3A_168 = tpu.vector_load %arg6[%swap3A_167] {strides = array<i32>} : memref<25600xi32, #tpu.memory_space<vmem>>, vector<16xi32>,
      %swap3A_169 = vector.shape_cast %swap3A_168 : vector<16xi32> to vector<16xi32>
      %swap3A_170 = vector.shape_cast %get3A_164 : vector<16xi32> to vector<16xi32>
      tpu.vector_store %arg6[%swap3A_167], %swap3A_170 {strides = array<i32>} : memref<25600xi32, #tpu.memory_space<vmem>>, vector<16xi32>,
      %get3A_171 = arith.index_cast %add3A_152 : i32 to index
      %get3A_172 = arith.constant 32 : index
      %get3A_173 = tpu.vector_load %arg5[%get3A_171, %get3A_172] {strides = array<i32>} : memref<512x50xi32, #tpu.memory_space<vmem>>, vector<1x16xi32>,
      %get3A_174 = vector.shape_cast %get3A_173 : vector<1x16xi32> to vector<16xi32>
      %add3A_175 = arith.constant 32 : i32
      %add3A_176 = arith.addi %mul3A_154, %add3A_175 : i32
      %swap3A_177 = arith.index_cast %add3A_176 : i32 to index
      %swap3A_178 = tpu.vector_load %arg6[%swap3A_177] {strides = array<i32>} : memref<25600xi32, #tpu.memory_space<vmem>>, vector<16xi32>,
      %swap3A_179 = vector.shape_cast %swap3A_178 : vector<16xi32> to vector<16xi32>
      %swap3A_180 = vector.shape_cast %get3A_174 : vector<16xi32> to vector<16xi32>
      tpu.vector_store %arg6[%swap3A_177], %swap3A_180 {strides = array<i32>} : memref<25600xi32, #tpu.memory_space<vmem>>, vector<16xi32>,
      %get3A_181 = arith.index_cast %add3A_152 : i32 to index
      %get3A_182 = arith.constant 34 : index
      %get3A_183 = tpu.vector_load %arg5[%get3A_181, %get3A_182] {strides = array<i32>} : memref<512x50xi32, #tpu.memory_space<vmem>>, vector<1x16xi32>,
      %get3A_184 = vector.shape_cast %get3A_183 : vector<1x16xi32> to vector<16xi32>
      %add3A_185 = arith.constant 50 : i32
      %add3A_186 = arith.addi %mul3A_154, %add3A_185 : i32
      %sub3A = arith.constant 16 : i32
      %sub3A_187 = arith.subi %add3A_186, %sub3A : i32
      %swap3A_188 = arith.index_cast %sub3A_187 : i32 to index
      %swap3A_189 = tpu.vector_load %arg6[%swap3A_188] {strides = array<i32>} : memref<25600xi32, #tpu.memory_space<vmem>>, vector<16xi32>,
      %swap3A_190 = vector.shape_cast %swap3A_189 : vector<16xi32> to vector<16xi32>
      %swap3A_191 = vector.shape_cast %get3A_184 : vector<16xi32> to vector<16xi32>
      tpu.vector_store %arg6[%swap3A_188], %swap3A_191 {strides = array<i32>} : memref<25600xi32, #tpu.memory_space<vmem>>, vector<16xi32>,
      %scan3A_192 = arith.constant 1 : i32
      %scan3A_193 = arith.addi %scan3A_148, %scan3A_192 : i32
      %mul3A_194 = arith.constant 1 : i32
      %mul3A_195 = arith.muli %scan3A_193, %mul3A_194 : i32
      %add3A_196 = arith.constant 0 : i32
      %add3A_197 = arith.addi %add3A_196, %mul3A_195 : i32
      %mul3A_198 = arith.constant 50 : i32
      %mul3A_199 = arith.muli %add3A_197, %mul3A_198 : i32
      %get3A_200 = arith.index_cast %add3A_197 : i32 to index
      %get3A_201 = arith.constant 0 : index
      %get3A_202 = tpu.vector_load %arg5[%get3A_200, %get3A_201] {strides = array<i32>} : memref<512x50xi32, #tpu.memory_space<vmem>>, vector<1x16xi32>,
      %get3A_203 = vector.shape_cast %get3A_202 : vector<1x16xi32> to vector<16xi32>
      %swap3A_204 = arith.index_cast %mul3A_199 : i32 to index
      %swap3A_205 = tpu.vector_load %arg6[%swap3A_204] {strides = array<i32>} : memref<25600xi32, #tpu.memory_space<vmem>>, vector<16xi32>,
      %swap3A_206 = vector.shape_cast %swap3A_205 : vector<16xi32> to vector<16xi32>
      %swap3A_207 = vector.shape_cast %get3A_203 : vector<16xi32> to vector<16xi32>
      tpu.vector_store %arg6[%swap3A_204], %swap3A_207 {strides = array<i32>} : memref<25600xi32, #tpu.memory_space<vmem>>, vector<16xi32>,
      %get3A_208 = arith.index_cast %add3A_197 : i32 to index
      %get3A_209 = arith.constant 16 : index
      %get3A_210 = tpu.vector_load %arg5[%get3A_208, %get3A_209] {strides = array<i32>} : memref<512x50xi32, #tpu.memory_space<vmem>>, vector<1x16xi32>,
      %get3A_211 = vector.shape_cast %get3A_210 : vector<1x16xi32> to vector<16xi32>
      %add3A_212 = arith.constant 16 : i32
      %add3A_213 = arith.addi %mul3A_199, %add3A_212 : i32
      %swap3A_214 = arith.index_cast %add3A_213 : i32 to index
      %swap3A_215 = tpu.vector_load %arg6[%swap3A_214] {strides = array<i32>} : memref<25600xi32, #tpu.memory_space<vmem>>, vector<16xi32>,
      %swap3A_216 = vector.shape_cast %swap3A_215 : vector<16xi32> to vector<16xi32>
      %swap3A_217 = vector.shape_cast %get3A_211 : vector<16xi32> to vector<16xi32>
      tpu.vector_store %arg6[%swap3A_214], %swap3A_217 {strides = array<i32>} : memref<25600xi32, #tpu.memory_space<vmem>>, vector<16xi32>,
      %get3A_218 = arith.index_cast %add3A_197 : i32 to index
      %get3A_219 = arith.constant 32 : index
      %get3A_220 = tpu.vector_load %arg5[%get3A_218, %get3A_219] {strides = array<i32>} : memref<512x50xi32, #tpu.memory_space<vmem>>, vector<1x16xi32>,
      %get3A_221 = vector.shape_cast %get3A_220 : vector<1x16xi32> to vector<16xi32>
      %add3A_222 = arith.constant 32 : i32
      %add3A_223 = arith.addi %mul3A_199, %add3A_222 : i32
      %swap3A_224 = arith.index_cast %add3A_223 : i32 to index
      %swap3A_225 = tpu.vector_load %arg6[%swap3A_224] {strides = array<i32>} : memref<25600xi32, #tpu.memory_space<vmem>>, vector<16xi32>,
      %swap3A_226 = vector.shape_cast %swap3A_225 : vector<16xi32> to vector<16xi32>
      %swap3A_227 = vector.shape_cast %get3A_221 : vector<16xi32> to vector<16xi32>
      tpu.vector_store %arg6[%swap3A_224], %swap3A_227 {strides = array<i32>} : memref<25600xi32, #tpu.memory_space<vmem>>, vector<16xi32>,
      %get3A_228 = arith.index_cast %add3A_197 : i32 to index
      %get3A_229 = arith.constant 34 : index
      %get3A_230 = tpu.vector_load %arg5[%get3A_228, %get3A_229] {strides = array<i32>} : memref<512x50xi32, #tpu.memory_space<vmem>>, vector<1x16xi32>,
      %get3A_231 = vector.shape_cast %get3A_230 : vector<1x16xi32> to vector<16xi32>
      %add3A_232 = arith.constant 50 : i32
      %add3A_233 = arith.addi %mul3A_199, %add3A_232 : i32
      %sub3A_234 = arith.constant 16 : i32
      %sub3A_235 = arith.subi %add3A_233, %sub3A_234 : i32
      %swap3A_236 = arith.index_cast %sub3A_235 : i32 to index
      %swap3A_237 = tpu.vector_load %arg6[%swap3A_236] {strides = array<i32>} : memref<25600xi32, #tpu.memory_space<vmem>>, vector<16xi32>,
      %swap3A_238 = vector.shape_cast %swap3A_237 : vector<16xi32> to vector<16xi32>
      %swap3A_239 = vector.shape_cast %get3A_231 : vector<16xi32> to vector<16xi32>
      tpu.vector_store %arg6[%swap3A_236], %swap3A_239 {strides = array<i32>} : memref<25600xi32, #tpu.memory_space<vmem>>, vector<16xi32>,
      %scan3A_240 = arith.constant 2 : i32
      %scan3A_241 = arith.addi %scan3A_148, %scan3A_240 : i32
      %mul3A_242 = arith.constant 1 : i32
      %mul3A_243 = arith.muli %scan3A_241, %mul3A_242 : i32
      %add3A_244 = arith.constant 0 : i32
      %add3A_245 = arith.addi %add3A_244, %mul3A_243 : i32
      %mul3A_246 = arith.constant 50 : i32
      %mul3A_247 = arith.muli %add3A_245, %mul3A_246 : i32
      %get3A_248 = arith.index_cast %add3A_245 : i32 to index
      %get3A_249 = arith.constant 0 : index
      %get3A_250 = tpu.vector_load %arg5[%get3A_248, %get3A_249] {strides = array<i32>} : memref<512x50xi32, #tpu.memory_space<vmem>>, vector<1x16xi32>,
      %get3A_251 = vector.shape_cast %get3A_250 : vector<1x16xi32> to vector<16xi32>
      %swap3A_252 = arith.index_cast %mul3A_247 : i32 to index
      %swap3A_253 = tpu.vector_load %arg6[%swap3A_252] {strides = array<i32>} : memref<25600xi32, #tpu.memory_space<vmem>>, vector<16xi32>,
      %swap3A_254 = vector.shape_cast %swap3A_253 : vector<16xi32> to vector<16xi32>
      %swap3A_255 = vector.shape_cast %get3A_251 : vector<16xi32> to vector<16xi32>
      tpu.vector_store %arg6[%swap3A_252], %swap3A_255 {strides = array<i32>} : memref<25600xi32, #tpu.memory_space<vmem>>, vector<16xi32>,
      %get3A_256 = arith.index_cast %add3A_245 : i32 to index
      %get3A_257 = arith.constant 16 : index
      %get3A_258 = tpu.vector_load %arg5[%get3A_256, %get3A_257] {strides = array<i32>} : memref<512x50xi32, #tpu.memory_space<vmem>>, vector<1x16xi32>,
      %get3A_259 = vector.shape_cast %get3A_258 : vector<1x16xi32> to vector<16xi32>
      %add3A_260 = arith.constant 16 : i32
      %add3A_261 = arith.addi %mul3A_247, %add3A_260 : i32
      %swap3A_262 = arith.index_cast %add3A_261 : i32 to index
      %swap3A_263 = tpu.vector_load %arg6[%swap3A_262] {strides = array<i32>} : memref<25600xi32, #tpu.memory_space<vmem>>, vector<16xi32>,
      %swap3A_264 = vector.shape_cast %swap3A_263 : vector<16xi32> to vector<16xi32>
      %swap3A_265 = vector.shape_cast %get3A_259 : vector<16xi32> to vector<16xi32>
      tpu.vector_store %arg6[%swap3A_262], %swap3A_265 {strides = array<i32>} : memref<25600xi32, #tpu.memory_space<vmem>>, vector<16xi32>,
      %get3A_266 = arith.index_cast %add3A_245 : i32 to index
      %get3A_267 = arith.constant 32 : index
      %get3A_268 = tpu.vector_load %arg5[%get3A_266, %get3A_267] {strides = array<i32>} : memref<512x50xi32, #tpu.memory_space<vmem>>, vector<1x16xi32>,
      %get3A_269 = vector.shape_cast %get3A_268 : vector<1x16xi32> to vector<16xi32>
      %add3A_270 = arith.constant 32 : i32
      %add3A_271 = arith.addi %mul3A_247, %add3A_270 : i32
      %swap3A_272 = arith.index_cast %add3A_271 : i32 to index
      %swap3A_273 = tpu.vector_load %arg6[%swap3A_272] {strides = array<i32>} : memref<25600xi32, #tpu.memory_space<vmem>>, vector<16xi32>,
      %swap3A_274 = vector.shape_cast %swap3A_273 : vector<16xi32> to vector<16xi32>
      %swap3A_275 = vector.shape_cast %get3A_269 : vector<16xi32> to vector<16xi32>
      tpu.vector_store %arg6[%swap3A_272], %swap3A_275 {strides = array<i32>} : memref<25600xi32, #tpu.memory_space<vmem>>, vector<16xi32>,
      %get3A_276 = arith.index_cast %add3A_245 : i32 to index
      %get3A_277 = arith.constant 34 : index
      %get3A_278 = tpu.vector_load %arg5[%get3A_276, %get3A_277] {strides = array<i32>} : memref<512x50xi32, #tpu.memory_space<vmem>>, vector<1x16xi32>,
      %get3A_279 = vector.shape_cast %get3A_278 : vector<1x16xi32> to vector<16xi32>
      %add3A_280 = arith.constant 50 : i32
      %add3A_281 = arith.addi %mul3A_247, %add3A_280 : i32
      %sub3A_282 = arith.constant 16 : i32
      %sub3A_283 = arith.subi %add3A_281, %sub3A_282 : i32
      %swap3A_284 = arith.index_cast %sub3A_283 : i32 to index
      %swap3A_285 = tpu.vector_load %arg6[%swap3A_284] {strides = array<i32>} : memref<25600xi32, #tpu.memory_space<vmem>>, vector<16xi32>,
      %swap3A_286 = vector.shape_cast %swap3A_285 : vector<16xi32> to vector<16xi32>
      %swap3A_287 = vector.shape_cast %get3A_279 : vector<16xi32> to vector<16xi32>
      tpu.vector_store %arg6[%swap3A_284], %swap3A_287 {strides = array<i32>} : memref<25600xi32, #tpu.memory_space<vmem>>, vector<16xi32>,
      %scan3A_288 = arith.constant 3 : i32
      %scan3A_289 = arith.addi %scan3A_148, %scan3A_288 : i32
      %mul3A_290 = arith.constant 1 : i32
      %mul3A_291 = arith.muli %scan3A_289, %mul3A_290 : i32
      %add3A_292 = arith.constant 0 : i32
      %add3A_293 = arith.addi %add3A_292, %mul3A_291 : i32
      %mul3A_294 = arith.constant 50 : i32
      %mul3A_295 = arith.muli %add3A_293, %mul3A_294 : i32
      %get3A_296 = arith.index_cast %add3A_293 : i32 to index
      %get3A_297 = arith.constant 0 : index
      %get3A_298 = tpu.vector_load %arg5[%get3A_296, %get3A_297] {strides = array<i32>} : memref<512x50xi32, #tpu.memory_space<vmem>>, vector<1x16xi32>,
      %get3A_299 = vector.shape_cast %get3A_298 : vector<1x16xi32> to vector<16xi32>
      %swap3A_300 = arith.index_cast %mul3A_295 : i32 to index
      %swap3A_301 = tpu.vector_load %arg6[%swap3A_300] {strides = array<i32>} : memref<25600xi32, #tpu.memory_space<vmem>>, vector<16xi32>,
      %swap3A_302 = vector.shape_cast %swap3A_301 : vector<16xi32> to vector<16xi32>
      %swap3A_303 = vector.shape_cast %get3A_299 : vector<16xi32> to vector<16xi32>
      tpu.vector_store %arg6[%swap3A_300], %swap3A_303 {strides = array<i32>} : memref<25600xi32, #tpu.memory_space<vmem>>, vector<16xi32>,
      %get3A_304 = arith.index_cast %add3A_293 : i32 to index
      %get3A_305 = arith.constant 16 : index
      %get3A_306 = tpu.vector_load %arg5[%get3A_304, %get3A_305] {strides = array<i32>} : memref<512x50xi32, #tpu.memory_space<vmem>>, vector<1x16xi32>,
      %get3A_307 = vector.shape_cast %get3A_306 : vector<1x16xi32> to vector<16xi32>
      %add3A_308 = arith.constant 16 : i32
      %add3A_309 = arith.addi %mul3A_295, %add3A_308 : i32
      %swap3A_310 = arith.index_cast %add3A_309 : i32 to index
      %swap3A_311 = tpu.vector_load %arg6[%swap3A_310] {strides = array<i32>} : memref<25600xi32, #tpu.memory_space<vmem>>, vector<16xi32>,
      %swap3A_312 = vector.shape_cast %swap3A_311 : vector<16xi32> to vector<16xi32>
      %swap3A_313 = vector.shape_cast %get3A_307 : vector<16xi32> to vector<16xi32>
      tpu.vector_store %arg6[%swap3A_310], %swap3A_313 {strides = array<i32>} : memref<25600xi32, #tpu.memory_space<vmem>>, vector<16xi32>,
      %get3A_314 = arith.index_cast %add3A_293 : i32 to index
      %get3A_315 = arith.constant 32 : index
      %get3A_316 = tpu.vector_load %arg5[%get3A_314, %get3A_315] {strides = array<i32>} : memref<512x50xi32, #tpu.memory_space<vmem>>, vector<1x16xi32>,
      %get3A_317 = vector.shape_cast %get3A_316 : vector<1x16xi32> to vector<16xi32>
      %add3A_318 = arith.constant 32 : i32
      %add3A_319 = arith.addi %mul3A_295, %add3A_318 : i32
      %swap3A_320 = arith.index_cast %add3A_319 : i32 to index
      %swap3A_321 = tpu.vector_load %arg6[%swap3A_320] {strides = array<i32>} : memref<25600xi32, #tpu.memory_space<vmem>>, vector<16xi32>,
      %swap3A_322 = vector.shape_cast %swap3A_321 : vector<16xi32> to vector<16xi32>
      %swap3A_323 = vector.shape_cast %get3A_317 : vector<16xi32> to vector<16xi32>
      tpu.vector_store %arg6[%swap3A_320], %swap3A_323 {strides = array<i32>} : memref<25600xi32, #tpu.memory_space<vmem>>, vector<16xi32>,
      %get3A_324 = arith.index_cast %add3A_293 : i32 to index
      %get3A_325 = arith.constant 34 : index
      %get3A_326 = tpu.vector_load %arg5[%get3A_324, %get3A_325] {strides = array<i32>} : memref<512x50xi32, #tpu.memory_space<vmem>>, vector<1x16xi32>,
      %get3A_327 = vector.shape_cast %get3A_326 : vector<1x16xi32> to vector<16xi32>
      %add3A_328 = arith.constant 50 : i32
      %add3A_329 = arith.addi %mul3A_295, %add3A_328 : i32
      %sub3A_330 = arith.constant 16 : i32
      %sub3A_331 = arith.subi %add3A_329, %sub3A_330 : i32
      %swap3A_332 = arith.index_cast %sub3A_331 : i32 to index
      %swap3A_333 = tpu.vector_load %arg6[%swap3A_332] {strides = array<i32>} : memref<25600xi32, #tpu.memory_space<vmem>>, vector<16xi32>,
      %swap3A_334 = vector.shape_cast %swap3A_333 : vector<16xi32> to vector<16xi32>
      %swap3A_335 = vector.shape_cast %get3A_327 : vector<16xi32> to vector<16xi32>
      tpu.vector_store %arg6[%swap3A_332], %swap3A_335 {strides = array<i32>} : memref<25600xi32, #tpu.memory_space<vmem>>, vector<16xi32>,
      %scan3A_336 = arith.constant 4 : i32
      %scan3A_337 = arith.addi %scan3A_148, %scan3A_336 : i32
      %mul3A_338 = arith.constant 1 : i32
      %mul3A_339 = arith.muli %scan3A_337, %mul3A_338 : i32
      %add3A_340 = arith.constant 0 : i32
      %add3A_341 = arith.addi %add3A_340, %mul3A_339 : i32
      %mul3A_342 = arith.constant 50 : i32
      %mul3A_343 = arith.muli %add3A_341, %mul3A_342 : i32
      %get3A_344 = arith.index_cast %add3A_341 : i32 to index
      %get3A_345 = arith.constant 0 : index
      %get3A_346 = tpu.vector_load %arg5[%get3A_344, %get3A_345] {strides = array<i32>} : memref<512x50xi32, #tpu.memory_space<vmem>>, vector<1x16xi32>,
      %get3A_347 = vector.shape_cast %get3A_346 : vector<1x16xi32> to vector<16xi32>
      %swap3A_348 = arith.index_cast %mul3A_343 : i32 to index
      %swap3A_349 = tpu.vector_load %arg6[%swap3A_348] {strides = array<i32>} : memref<25600xi32, #tpu.memory_space<vmem>>, vector<16xi32>,
      %swap3A_350 = vector.shape_cast %swap3A_349 : vector<16xi32> to vector<16xi32>
      %swap3A_351 = vector.shape_cast %get3A_347 : vector<16xi32> to vector<16xi32>
      tpu.vector_store %arg6[%swap3A_348], %swap3A_351 {strides = array<i32>} : memref<25600xi32, #tpu.memory_space<vmem>>, vector<16xi32>,
      %get3A_352 = arith.index_cast %add3A_341 : i32 to index
      %get3A_353 = arith.constant 16 : index
      %get3A_354 = tpu.vector_load %arg5[%get3A_352, %get3A_353] {strides = array<i32>} : memref<512x50xi32, #tpu.memory_space<vmem>>, vector<1x16xi32>,
      %get3A_355 = vector.shape_cast %get3A_354 : vector<1x16xi32> to vector<16xi32>
      %add3A_356 = arith.constant 16 : i32
      %add3A_357 = arith.addi %mul3A_343, %add3A_356 : i32
      %swap3A_358 = arith.index_cast %add3A_357 : i32 to index
      %swap3A_359 = tpu.vector_load %arg6[%swap3A_358] {strides = array<i32>} : memref<25600xi32, #tpu.memory_space<vmem>>, vector<16xi32>,
      %swap3A_360 = vector.shape_cast %swap3A_359 : vector<16xi32> to vector<16xi32>
      %swap3A_361 = vector.shape_cast %get3A_355 : vector<16xi32> to vector<16xi32>
      tpu.vector_store %arg6[%swap3A_358], %swap3A_361 {strides = array<i32>} : memref<25600xi32, #tpu.memory_space<vmem>>, vector<16xi32>,
      %get3A_362 = arith.index_cast %add3A_341 : i32 to index
      %get3A_363 = arith.constant 32 : index
      %get3A_364 = tpu.vector_load %arg5[%get3A_362, %get3A_363] {strides = array<i32>} : memref<512x50xi32, #tpu.memory_space<vmem>>, vector<1x16xi32>,
      %get3A_365 = vector.shape_cast %get3A_364 : vector<1x16xi32> to vector<16xi32>
      %add3A_366 = arith.constant 32 : i32
      %add3A_367 = arith.addi %mul3A_343, %add3A_366 : i32
      %swap3A_368 = arith.index_cast %add3A_367 : i32 to index
      %swap3A_369 = tpu.vector_load %arg6[%swap3A_368] {strides = array<i32>} : memref<25600xi32, #tpu.memory_space<vmem>>, vector<16xi32>,
      %swap3A_370 = vector.shape_cast %swap3A_369 : vector<16xi32> to vector<16xi32>
      %swap3A_371 = vector.shape_cast %get3A_365 : vector<16xi32> to vector<16xi32>
      tpu.vector_store %arg6[%swap3A_368], %swap3A_371 {strides = array<i32>} : memref<25600xi32, #tpu.memory_space<vmem>>, vector<16xi32>,
      %get3A_372 = arith.index_cast %add3A_341 : i32 to index
      %get3A_373 = arith.constant 34 : index
      %get3A_374 = tpu.vector_load %arg5[%get3A_372, %get3A_373] {strides = array<i32>} : memref<512x50xi32, #tpu.memory_space<vmem>>, vector<1x16xi32>,
      %get3A_375 = vector.shape_cast %get3A_374 : vector<1x16xi32> to vector<16xi32>
      %add3A_376 = arith.constant 50 : i32
      %add3A_377 = arith.addi %mul3A_343, %add3A_376 : i32
      %sub3A_378 = arith.constant 16 : i32
      %sub3A_379 = arith.subi %add3A_377, %sub3A_378 : i32
      %swap3A_380 = arith.index_cast %sub3A_379 : i32 to index
      %swap3A_381 = tpu.vector_load %arg6[%swap3A_380] {strides = array<i32>} : memref<25600xi32, #tpu.memory_space<vmem>>, vector<16xi32>,
      %swap3A_382 = vector.shape_cast %swap3A_381 : vector<16xi32> to vector<16xi32>
      %swap3A_383 = vector.shape_cast %get3A_375 : vector<16xi32> to vector<16xi32>
      tpu.vector_store %arg6[%swap3A_380], %swap3A_383 {strides = array<i32>} : memref<25600xi32, #tpu.memory_space<vmem>>, vector<16xi32>,
      %scan3A_384 = arith.constant 5 : i32
      %scan3A_385 = arith.addi %scan3A_148, %scan3A_384 : i32
      %mul3A_386 = arith.constant 1 : i32
      %mul3A_387 = arith.muli %scan3A_385, %mul3A_386 : i32
      %add3A_388 = arith.constant 0 : i32
      %add3A_389 = arith.addi %add3A_388, %mul3A_387 : i32
      %mul3A_390 = arith.constant 50 : i32
      %mul3A_391 = arith.muli %add3A_389, %mul3A_390 : i32
      %get3A_392 = arith.index_cast %add3A_389 : i32 to index
      %get3A_393 = arith.constant 0 : index
      %get3A_394 = tpu.vector_load %arg5[%get3A_392, %get3A_393] {strides = array<i32>} : memref<512x50xi32, #tpu.memory_space<vmem>>, vector<1x16xi32>,
      %get3A_395 = vector.shape_cast %get3A_394 : vector<1x16xi32> to vector<16xi32>
      %swap3A_396 = arith.index_cast %mul3A_391 : i32 to index
      %swap3A_397 = tpu.vector_load %arg6[%swap3A_396] {strides = array<i32>} : memref<25600xi32, #tpu.memory_space<vmem>>, vector<16xi32>,
      %swap3A_398 = vector.shape_cast %swap3A_397 : vector<16xi32> to vector<16xi32>
      %swap3A_399 = vector.shape_cast %get3A_395 : vector<16xi32> to vector<16xi32>
      tpu.vector_store %arg6[%swap3A_396], %swap3A_399 {strides = array<i32>} : memref<25600xi32, #tpu.memory_space<vmem>>, vector<16xi32>,
      %get3A_400 = arith.index_cast %add3A_389 : i32 to index
      %get3A_401 = arith.constant 16 : index
      %get3A_402 = tpu.vector_load %arg5[%get3A_400, %get3A_401] {strides = array<i32>} : memref<512x50xi32, #tpu.memory_space<vmem>>, vector<1x16xi32>,
      %get3A_403 = vector.shape_cast %get3A_402 : vector<1x16xi32> to vector<16xi32>
      %add3A_404 = arith.constant 16 : i32
      %add3A_405 = arith.addi %mul3A_391, %add3A_404 : i32
      %swap3A_406 = arith.index_cast %add3A_405 : i32 to index
      %swap3A_407 = tpu.vector_load %arg6[%swap3A_406] {strides = array<i32>} : memref<25600xi32, #tpu.memory_space<vmem>>, vector<16xi32>,
      %swap3A_408 = vector.shape_cast %swap3A_407 : vector<16xi32> to vector<16xi32>
      %swap3A_409 = vector.shape_cast %get3A_403 : vector<16xi32> to vector<16xi32>
      tpu.vector_store %arg6[%swap3A_406], %swap3A_409 {strides = array<i32>} : memref<25600xi32, #tpu.memory_space<vmem>>, vector<16xi32>,
      %get3A_410 = arith.index_cast %add3A_389 : i32 to index
      %get3A_411 = arith.constant 32 : index
      %get3A_412 = tpu.vector_load %arg5[%get3A_410, %get3A_411] {strides = array<i32>} : memref<512x50xi32, #tpu.memory_space<vmem>>, vector<1x16xi32>,
      %get3A_413 = vector.shape_cast %get3A_412 : vector<1x16xi32> to vector<16xi32>
      %add3A_414 = arith.constant 32 : i32
      %add3A_415 = arith.addi %mul3A_391, %add3A_414 : i32
      %swap3A_416 = arith.index_cast %add3A_415 : i32 to index
      %swap3A_417 = tpu.vector_load %arg6[%swap3A_416] {strides = array<i32>} : memref<25600xi32, #tpu.memory_space<vmem>>, vector<16xi32>,
      %swap3A_418 = vector.shape_cast %swap3A_417 : vector<16xi32> to vector<16xi32>
      %swap3A_419 = vector.shape_cast %get3A_413 : vector<16xi32> to vector<16xi32>
      tpu.vector_store %arg6[%swap3A_416], %swap3A_419 {strides = array<i32>} : memref<25600xi32, #tpu.memory_space<vmem>>, vector<16xi32>,
      %get3A_420 = arith.index_cast %add3A_389 : i32 to index
      %get3A_421 = arith.constant 34 : index
      %get3A_422 = tpu.vector_load %arg5[%get3A_420, %get3A_421] {strides = array<i32>} : memref<512x50xi32, #tpu.memory_space<vmem>>, vector<1x16xi32>,
      %get3A_423 = vector.shape_cast %get3A_422 : vector<1x16xi32> to vector<16xi32>
      %add3A_424 = arith.constant 50 : i32
      %add3A_425 = arith.addi %mul3A_391, %add3A_424 : i32
      %sub3A_426 = arith.constant 16 : i32
      %sub3A_427 = arith.subi %add3A_425, %sub3A_426 : i32
      %swap3A_428 = arith.index_cast %sub3A_427 : i32 to index
      %swap3A_429 = tpu.vector_load %arg6[%swap3A_428] {strides = array<i32>} : memref<25600xi32, #tpu.memory_space<vmem>>, vector<16xi32>,
      %swap3A_430 = vector.shape_cast %swap3A_429 : vector<16xi32> to vector<16xi32>
      %swap3A_431 = vector.shape_cast %get3A_423 : vector<16xi32> to vector<16xi32>
      tpu.vector_store %arg6[%swap3A_428], %swap3A_431 {strides = array<i32>} : memref<25600xi32, #tpu.memory_space<vmem>>, vector<16xi32>,
      %scan3A_432 = arith.constant 6 : i32
      %scan3A_433 = arith.addi %scan3A_148, %scan3A_432 : i32
      %mul3A_434 = arith.constant 1 : i32
      %mul3A_435 = arith.muli %scan3A_433, %mul3A_434 : i32
      %add3A_436 = arith.constant 0 : i32
      %add3A_437 = arith.addi %add3A_436, %mul3A_435 : i32
      %mul3A_438 = arith.constant 50 : i32
      %mul3A_439 = arith.muli %add3A_437, %mul3A_438 : i32
      %get3A_440 = arith.index_cast %add3A_437 : i32 to index
      %get3A_441 = arith.constant 0 : index
      %get3A_442 = tpu.vector_load %arg5[%get3A_440, %get3A_441] {strides = array<i32>} : memref<512x50xi32, #tpu.memory_space<vmem>>, vector<1x16xi32>,
      %get3A_443 = vector.shape_cast %get3A_442 : vector<1x16xi32> to vector<16xi32>
      %swap3A_444 = arith.index_cast %mul3A_439 : i32 to index
      %swap3A_445 = tpu.vector_load %arg6[%swap3A_444] {strides = array<i32>} : memref<25600xi32, #tpu.memory_space<vmem>>, vector<16xi32>,
      %swap3A_446 = vector.shape_cast %swap3A_445 : vector<16xi32> to vector<16xi32>
      %swap3A_447 = vector.shape_cast %get3A_443 : vector<16xi32> to vector<16xi32>
      tpu.vector_store %arg6[%swap3A_444], %swap3A_447 {strides = array<i32>} : memref<25600xi32, #tpu.memory_space<vmem>>, vector<16xi32>,
      %get3A_448 = arith.index_cast %add3A_437 : i32 to index
      %get3A_449 = arith.constant 16 : index
      %get3A_450 = tpu.vector_load %arg5[%get3A_448, %get3A_449] {strides = array<i32>} : memref<512x50xi32, #tpu.memory_space<vmem>>, vector<1x16xi32>,
      %get3A_451 = vector.shape_cast %get3A_450 : vector<1x16xi32> to vector<16xi32>
      %add3A_452 = arith.constant 16 : i32
      %add3A_453 = arith.addi %mul3A_439, %add3A_452 : i32
      %swap3A_454 = arith.index_cast %add3A_453 : i32 to index
      %swap3A_455 = tpu.vector_load %arg6[%swap3A_454] {strides = array<i32>} : memref<25600xi32, #tpu.memory_space<vmem>>, vector<16xi32>,
      %swap3A_456 = vector.shape_cast %swap3A_455 : vector<16xi32> to vector<16xi32>
      %swap3A_457 = vector.shape_cast %get3A_451 : vector<16xi32> to vector<16xi32>
      tpu.vector_store %arg6[%swap3A_454], %swap3A_457 {strides = array<i32>} : memref<25600xi32, #tpu.memory_space<vmem>>, vector<16xi32>,
      %get3A_458 = arith.index_cast %add3A_437 : i32 to index
      %get3A_459 = arith.constant 32 : index
      %get3A_460 = tpu.vector_load %arg5[%get3A_458, %get3A_459] {strides = array<i32>} : memref<512x50xi32, #tpu.memory_space<vmem>>, vector<1x16xi32>,
      %get3A_461 = vector.shape_cast %get3A_460 : vector<1x16xi32> to vector<16xi32>
      %add3A_462 = arith.constant 32 : i32
      %add3A_463 = arith.addi %mul3A_439, %add3A_462 : i32
      %swap3A_464 = arith.index_cast %add3A_463 : i32 to index
      %swap3A_465 = tpu.vector_load %arg6[%swap3A_464] {strides = array<i32>} : memref<25600xi32, #tpu.memory_space<vmem>>, vector<16xi32>,
      %swap3A_466 = vector.shape_cast %swap3A_465 : vector<16xi32> to vector<16xi32>
      %swap3A_467 = vector.shape_cast %get3A_461 : vector<16xi32> to vector<16xi32>
      tpu.vector_store %arg6[%swap3A_464], %swap3A_467 {strides = array<i32>} : memref<25600xi32, #tpu.memory_space<vmem>>, vector<16xi32>,
      %get3A_468 = arith.index_cast %add3A_437 : i32 to index
      %get3A_469 = arith.constant 34 : index
      %get3A_470 = tpu.vector_load %arg5[%get3A_468, %get3A_469] {strides = array<i32>} : memref<512x50xi32, #tpu.memory_space<vmem>>, vector<1x16xi32>,
      %get3A_471 = vector.shape_cast %get3A_470 : vector<1x16xi32> to vector<16xi32>
      %add3A_472 = arith.constant 50 : i32
      %add3A_473 = arith.addi %mul3A_439, %add3A_472 : i32
      %sub3A_474 = arith.constant 16 : i32
      %sub3A_475 = arith.subi %add3A_473, %sub3A_474 : i32
      %swap3A_476 = arith.index_cast %sub3A_475 : i32 to index
      %swap3A_477 = tpu.vector_load %arg6[%swap3A_476] {strides = array<i32>} : memref<25600xi32, #tpu.memory_space<vmem>>, vector<16xi32>,
      %swap3A_478 = vector.shape_cast %swap3A_477 : vector<16xi32> to vector<16xi32>
      %swap3A_479 = vector.shape_cast %get3A_471 : vector<16xi32> to vector<16xi32>
      tpu.vector_store %arg6[%swap3A_476], %swap3A_479 {strides = array<i32>} : memref<25600xi32, #tpu.memory_space<vmem>>, vector<16xi32>,
      %scan3A_480 = arith.constant 7 : i32
      %scan3A_481 = arith.addi %scan3A_148, %scan3A_480 : i32
      %mul3A_482 = arith.constant 1 : i32
      %mul3A_483 = arith.muli %scan3A_481, %mul3A_482 : i32
      %add3A_484 = arith.constant 0 : i32
      %add3A_485 = arith.addi %add3A_484, %mul3A_483 : i32
      %mul3A_486 = arith.constant 50 : i32
      %mul3A_487 = arith.muli %add3A_485, %mul3A_486 : i32
      %get3A_488 = arith.index_cast %add3A_485 : i32 to index
      %get3A_489 = arith.constant 0 : index
      %get3A_490 = tpu.vector_load %arg5[%get3A_488, %get3A_489] {strides = array<i32>} : memref<512x50xi32, #tpu.memory_space<vmem>>, vector<1x16xi32>,
      %get3A_491 = vector.shape_cast %get3A_490 : vector<1x16xi32> to vector<16xi32>
      %swap3A_492 = arith.index_cast %mul3A_487 : i32 to index
      %swap3A_493 = tpu.vector_load %arg6[%swap3A_492] {strides = array<i32>} : memref<25600xi32, #tpu.memory_space<vmem>>, vector<16xi32>,
      %swap3A_494 = vector.shape_cast %swap3A_493 : vector<16xi32> to vector<16xi32>
      %swap3A_495 = vector.shape_cast %get3A_491 : vector<16xi32> to vector<16xi32>
      tpu.vector_store %arg6[%swap3A_492], %swap3A_495 {strides = array<i32>} : memref<25600xi32, #tpu.memory_space<vmem>>, vector<16xi32>,
      %get3A_496 = arith.index_cast %add3A_485 : i32 to index
      %get3A_497 = arith.constant 16 : index
      %get3A_498 = tpu.vector_load %arg5[%get3A_496, %get3A_497] {strides = array<i32>} : memref<512x50xi32, #tpu.memory_space<vmem>>, vector<1x16xi32>,
      %get3A_499 = vector.shape_cast %get3A_498 : vector<1x16xi32> to vector<16xi32>
      %add3A_500 = arith.constant 16 : i32
      %add3A_501 = arith.addi %mul3A_487, %add3A_500 : i32
      %swap3A_502 = arith.index_cast %add3A_501 : i32 to index
      %swap3A_503 = tpu.vector_load %arg6[%swap3A_502] {strides = array<i32>} : memref<25600xi32, #tpu.memory_space<vmem>>, vector<16xi32>,
      %swap3A_504 = vector.shape_cast %swap3A_503 : vector<16xi32> to vector<16xi32>
      %swap3A_505 = vector.shape_cast %get3A_499 : vector<16xi32> to vector<16xi32>
      tpu.vector_store %arg6[%swap3A_502], %swap3A_505 {strides = array<i32>} : memref<25600xi32, #tpu.memory_space<vmem>>, vector<16xi32>,
      %get3A_506 = arith.index_cast %add3A_485 : i32 to index
      %get3A_507 = arith.constant 32 : index
      %get3A_508 = tpu.vector_load %arg5[%get3A_506, %get3A_507] {strides = array<i32>} : memref<512x50xi32, #tpu.memory_space<vmem>>, vector<1x16xi32>,
      %get3A_509 = vector.shape_cast %get3A_508 : vector<1x16xi32> to vector<16xi32>
      %add3A_510 = arith.constant 32 : i32
      %add3A_511 = arith.addi %mul3A_487, %add3A_510 : i32
      %swap3A_512 = arith.index_cast %add3A_511 : i32 to index
      %swap3A_513 = tpu.vector_load %arg6[%swap3A_512] {strides = array<i32>} : memref<25600xi32, #tpu.memory_space<vmem>>, vector<16xi32>,
      %swap3A_514 = vector.shape_cast %swap3A_513 : vector<16xi32> to vector<16xi32>
      %swap3A_515 = vector.shape_cast %get3A_509 : vector<16xi32> to vector<16xi32>
      tpu.vector_store %arg6[%swap3A_512], %swap3A_515 {strides = array<i32>} : memref<25600xi32, #tpu.memory_space<vmem>>, vector<16xi32>,
      %get3A_516 = arith.index_cast %add3A_485 : i32 to index
      %get3A_517 = arith.constant 34 : index
      %get3A_518 = tpu.vector_load %arg5[%get3A_516, %get3A_517] {strides = array<i32>} : memref<512x50xi32, #tpu.memory_space<vmem>>, vector<1x16xi32>,
      %get3A_519 = vector.shape_cast %get3A_518 : vector<1x16xi32> to vector<16xi32>
      %add3A_520 = arith.constant 50 : i32
      %add3A_521 = arith.addi %mul3A_487, %add3A_520 : i32
      %sub3A_522 = arith.constant 16 : i32
      %sub3A_523 = arith.subi %add3A_521, %sub3A_522 : i32
      %swap3A_524 = arith.index_cast %sub3A_523 : i32 to index
      %swap3A_525 = tpu.vector_load %arg6[%swap3A_524] {strides = array<i32>} : memref<25600xi32, #tpu.memory_space<vmem>>, vector<16xi32>,
      %swap3A_526 = vector.shape_cast %swap3A_525 : vector<16xi32> to vector<16xi32>
      %swap3A_527 = vector.shape_cast %get3A_519 : vector<16xi32> to vector<16xi32>
      tpu.vector_store %arg6[%swap3A_524], %swap3A_527 {strides = array<i32>} : memref<25600xi32, #tpu.memory_space<vmem>>, vector<16xi32>,
    }
    %scan3A_8 = arith.constant 512 : i32
    %dma_start3A = arith.constant 0 : i32
    %dma_start3A_9 = tpu.memref_slice %arg6[%dma_start3A] : memref<25600xi32, #tpu.memory_space<vmem>> -> memref<128xi32, #tpu.memory_space<vmem>>
    %dma_start3A_10 = arith.constant 0 : i32
    %dma_start3A_11 = arith.constant 0 : i32
    %dma_start3A_12 = tpu.memref_slice %arg3[%dma_start3A_10, %dma_start3A_11] : memref<1000000x128xf32, #tpu.memory_space<hbm>> -> memref<1000000x128xf32, #tpu.memory_space<hbm>>
    tpu.enqueue_indirect_dma source(%dma_start3A_12 : memref<1000000x128xf32, #tpu.memory_space<hbm>>) target(%arg7 : memref<128x128xf32, #tpu.memory_space<vmem>>) offsets(%dma_start3A_9 : memref<128xi32, #tpu.memory_space<vmem>>) semaphore(%arg11 : memref<!tpu.dma_semaphore, #tpu.memory_space<semaphore_mem>>)
    %dma_start3A_13 = arith.constant 128 : i32
    %dma_start3A_14 = tpu.memref_slice %arg6[%dma_start3A_13] : memref<25600xi32, #tpu.memory_space<vmem>> -> memref<128xi32, #tpu.memory_space<vmem>>
    %dma_start3A_15 = arith.constant 0 : i32
    %dma_start3A_16 = arith.constant 0 : i32
    %dma_start3A_17 = tpu.memref_slice %arg3[%dma_start3A_15, %dma_start3A_16] : memref<1000000x128xf32, #tpu.memory_space<hbm>> -> memref<1000000x128xf32, #tpu.memory_space<hbm>>
    tpu.enqueue_indirect_dma source(%dma_start3A_17 : memref<1000000x128xf32, #tpu.memory_space<hbm>>) target(%arg8 : memref<128x128xf32, #tpu.memory_space<vmem>>) offsets(%dma_start3A_14 : memref<128xi32, #tpu.memory_space<vmem>>) semaphore(%arg12 : memref<!tpu.dma_semaphore, #tpu.memory_space<semaphore_mem>>)
    %dma_start3A_18 = arith.constant 256 : i32
    %dma_start3A_19 = tpu.memref_slice %arg6[%dma_start3A_18] : memref<25600xi32, #tpu.memory_space<vmem>> -> memref<128xi32, #tpu.memory_space<vmem>>
    %dma_start3A_20 = arith.constant 0 : i32
    %dma_start3A_21 = arith.constant 0 : i32
    %dma_start3A_22 = tpu.memref_slice %arg3[%dma_start3A_20, %dma_start3A_21] : memref<1000000x128xf32, #tpu.memory_space<hbm>> -> memref<1000000x128xf32, #tpu.memory_space<hbm>>
    tpu.enqueue_indirect_dma source(%dma_start3A_22 : memref<1000000x128xf32, #tpu.memory_space<hbm>>) target(%arg9 : memref<128x128xf32, #tpu.memory_space<vmem>>) offsets(%dma_start3A_19 : memref<128xi32, #tpu.memory_space<vmem>>) semaphore(%arg13 : memref<!tpu.dma_semaphore, #tpu.memory_space<semaphore_mem>>)
    %dma_start3A_23 = arith.constant 384 : i32
    %dma_start3A_24 = tpu.memref_slice %arg6[%dma_start3A_23] : memref<25600xi32, #tpu.memory_space<vmem>> -> memref<128xi32, #tpu.memory_space<vmem>>
    %dma_start3A_25 = arith.constant 0 : i32
    %dma_start3A_26 = arith.constant 0 : i32
    %dma_start3A_27 = tpu.memref_slice %arg3[%dma_start3A_25, %dma_start3A_26] : memref<1000000x128xf32, #tpu.memory_space<hbm>> -> memref<1000000x128xf32, #tpu.memory_space<hbm>>
    tpu.enqueue_indirect_dma source(%dma_start3A_27 : memref<1000000x128xf32, #tpu.memory_space<hbm>>) target(%arg10 : memref<128x128xf32, #tpu.memory_space<vmem>>) offsets(%dma_start3A_24 : memref<128xi32, #tpu.memory_space<vmem>>) semaphore(%arg14 : memref<!tpu.dma_semaphore, #tpu.memory_space<semaphore_mem>>)
    %dma_wait3A = arith.constant 0 : i32
    %dma_wait3A_28 = tpu.memref_slice %arg6[%dma_wait3A] : memref<25600xi32, #tpu.memory_space<vmem>> -> memref<128xi32, #tpu.memory_space<vmem>>
    %dma_wait3A_29 = arith.constant 0 : i32
    %dma_wait3A_30 = arith.constant 0 : i32
    %dma_wait3A_31 = tpu.memref_slice %arg3[%dma_wait3A_29, %dma_wait3A_30] : memref<1000000x128xf32, #tpu.memory_space<hbm>> -> memref<1000000x128xf32, #tpu.memory_space<hbm>>
    tpu.wait_indirect_dma semaphore(%arg11 : memref<!tpu.dma_semaphore, #tpu.memory_space<semaphore_mem>>) src(%dma_wait3A_31 : memref<1000000x128xf32, #tpu.memory_space<hbm>>) dst(%arg7 : memref<128x128xf32, #tpu.memory_space<vmem>>)
    %add3A_32 = arith.constant 0 : i32
    %add3A_33 = arith.addi %mul3A_2, %add3A_32 : i32
    %dma_start3A_34 = arith.constant 0 : i32
    %dma_start3A_35 = arith.constant 0 : i32
    %dma_start3A_36 = tpu.memref_slice %arg7[%dma_start3A_34, %dma_start3A_35] : memref<128x128xf32, #tpu.memory_space<vmem>> -> memref<128x64xf32, #tpu.memory_space<vmem>>
    %dma_start3A_37 = arith.constant 0 : i32
    %dma_start3A_38 = tpu.memref_slice %arg4[%add3A_33, %dma_start3A_37] : memref<819200x128xf32, #tpu.memory_space<hbm>> -> memref<128x64xf32, #tpu.memory_space<hbm>>
    %dma_start3A_39 = arith.constant 0 : i32
    %dma_start3A_40 = tpu.memref_slice %arg4[%add3A_33, %dma_start3A_39] : memref<819200x128xf32, #tpu.memory_space<hbm>> -> memref<128x64xf32, #tpu.memory_space<hbm>>
    %dma_start3A_41 = arith.constant 0 : i32
    %dma_start3A_42 = arith.constant 0 : i32
    %dma_start3A_43 = tpu.memref_slice %arg7[%dma_start3A_41, %dma_start3A_42] : memref<128x128xf32, #tpu.memory_space<vmem>> -> memref<128x64xf32, #tpu.memory_space<vmem>>
    tpu.enqueue_dma source(%dma_start3A_43 : memref<128x64xf32, #tpu.memory_space<vmem>>) target(%dma_start3A_40 : memref<128x64xf32, #tpu.memory_space<hbm>>) target_semaphore(%arg15 : memref<!tpu.dma_semaphore, #tpu.memory_space<semaphore_mem>>)
    %dma_wait3A_44 = arith.constant 128 : i32
    %dma_wait3A_45 = tpu.memref_slice %arg6[%dma_wait3A_44] : memref<25600xi32, #tpu.memory_space<vmem>> -> memref<128xi32, #tpu.memory_space<vmem>>
    %dma_wait3A_46 = arith.constant 0 : i32
    %dma_wait3A_47 = arith.constant 0 : i32
    %dma_wait3A_48 = tpu.memref_slice %arg3[%dma_wait3A_46, %dma_wait3A_47] : memref<1000000x128xf32, #tpu.memory_space<hbm>> -> memref<1000000x128xf32, #tpu.memory_space<hbm>>
    tpu.wait_indirect_dma semaphore(%arg12 : memref<!tpu.dma_semaphore, #tpu.memory_space<semaphore_mem>>) src(%dma_wait3A_48 : memref<1000000x128xf32, #tpu.memory_space<hbm>>) dst(%arg8 : memref<128x128xf32, #tpu.memory_space<vmem>>)
    %add3A_49 = arith.constant 128 : i32
    %add3A_50 = arith.addi %mul3A_2, %add3A_49 : i32
    %dma_start3A_51 = arith.constant 0 : i32
    %dma_start3A_52 = arith.constant 0 : i32
    %dma_start3A_53 = tpu.memref_slice %arg8[%dma_start3A_51, %dma_start3A_52] : memref<128x128xf32, #tpu.memory_space<vmem>> -> memref<128x64xf32, #tpu.memory_space<vmem>>
    %dma_start3A_54 = arith.constant 0 : i32
    %dma_start3A_55 = tpu.memref_slice %arg4[%add3A_50, %dma_start3A_54] : memref<819200x128xf32, #tpu.memory_space<hbm>> -> memref<128x64xf32, #tpu.memory_space<hbm>>
    %dma_start3A_56 = arith.constant 0 : i32
    %dma_start3A_57 = tpu.memref_slice %arg4[%add3A_50, %dma_start3A_56] : memref<819200x128xf32, #tpu.memory_space<hbm>> -> memref<128x64xf32, #tpu.memory_space<hbm>>
    %dma_start3A_58 = arith.constant 0 : i32
    %dma_start3A_59 = arith.constant 0 : i32
    %dma_start3A_60 = tpu.memref_slice %arg8[%dma_start3A_58, %dma_start3A_59] : memref<128x128xf32, #tpu.memory_space<vmem>> -> memref<128x64xf32, #tpu.memory_space<vmem>>
    tpu.enqueue_dma source(%dma_start3A_60 : memref<128x64xf32, #tpu.memory_space<vmem>>) target(%dma_start3A_57 : memref<128x64xf32, #tpu.memory_space<hbm>>) target_semaphore(%arg16 : memref<!tpu.dma_semaphore, #tpu.memory_space<semaphore_mem>>)
    %scan3A_61 = arith.constant 0 : i32
    %scan3A_62 = arith.constant 49 : i32
    %scan3A_63 = arith.addi %scan3A_61, %scan3A_62 : i32
    %scan3A_64 = arith.constant 1 : i32
    scf.for %scan3A_148 = %scan3A_61 to %scan3A_63 step %scan3A_64  : i32 {
      %mul3A_149 = arith.constant 1 : i32
      %mul3A_150 = arith.muli %scan3A_148, %mul3A_149 : i32
      %add3A_151 = arith.constant 1 : i32
      %add3A_152 = arith.addi %add3A_151, %mul3A_150 : i32
      %mul3A_153 = arith.constant 4 : i32
      %mul3A_154 = arith.muli %add3A_152, %mul3A_153 : i32
      %add3A_155 = arith.constant 0 : i32
      %add3A_156 = arith.addi %mul3A_154, %add3A_155 : i32
      %sub3A = arith.constant 4 : i32
      %sub3A_157 = arith.subi %add3A_156, %sub3A : i32
      %mul3A_158 = arith.constant 128 : i32
      %mul3A_159 = arith.muli %sub3A_157, %mul3A_158 : i32
      %add3A_160 = arith.addi %mul3A_2, %mul3A_159 : i32
      %dma_wait3A_161 = arith.constant 0 : i32
      %dma_wait3A_162 = arith.constant 0 : i32
      %dma_wait3A_163 = tpu.memref_slice %arg7[%dma_wait3A_161, %dma_wait3A_162] : memref<128x128xf32, #tpu.memory_space<vmem>> -> memref<128x64xf32, #tpu.memory_space<vmem>>
      %dma_wait3A_164 = arith.constant 0 : i32
      %dma_wait3A_165 = tpu.memref_slice %arg4[%add3A_160, %dma_wait3A_164] : memref<819200x128xf32, #tpu.memory_space<hbm>> -> memref<128x64xf32, #tpu.memory_space<hbm>>
      %dma_wait3A_166 = arith.constant 0 : i32
      %dma_wait3A_167 = tpu.memref_slice %arg4[%add3A_160, %dma_wait3A_166] : memref<819200x128xf32, #tpu.memory_space<hbm>> -> memref<128x64xf32, #tpu.memory_space<hbm>>
      %dma_wait3A_168 = arith.constant 0 : i32
      %dma_wait3A_169 = arith.constant 0 : i32
      %dma_wait3A_170 = tpu.memref_slice %arg7[%dma_wait3A_168, %dma_wait3A_169] : memref<128x128xf32, #tpu.memory_space<vmem>> -> memref<128x64xf32, #tpu.memory_space<vmem>>
      tpu.wait_dma2 semaphore(%arg15 : memref<!tpu.dma_semaphore, #tpu.memory_space<semaphore_mem>>) src(%dma_wait3A_170 : memref<128x64xf32, #tpu.memory_space<vmem>>) dst(%dma_wait3A_167 : memref<128x64xf32, #tpu.memory_space<hbm>>)
      %mul3A_171 = arith.constant 128 : i32
      %mul3A_172 = arith.muli %add3A_156, %mul3A_171 : i32
      %dma_start3A_173 = tpu.memref_slice %arg6[%mul3A_172] : memref<25600xi32, #tpu.memory_space<vmem>> -> memref<128xi32, #tpu.memory_space<vmem>>
      %dma_start3A_174 = arith.constant 0 : i32
      %dma_start3A_175 = arith.constant 0 : i32
      %dma_start3A_176 = tpu.memref_slice %arg3[%dma_start3A_174, %dma_start3A_175] : memref<1000000x128xf32, #tpu.memory_space<hbm>> -> memref<1000000x128xf32, #tpu.memory_space<hbm>>
      tpu.enqueue_indirect_dma source(%dma_start3A_176 : memref<1000000x128xf32, #tpu.memory_space<hbm>>) target(%arg7 : memref<128x128xf32, #tpu.memory_space<vmem>>) offsets(%dma_start3A_173 : memref<128xi32, #tpu.memory_space<vmem>>) semaphore(%arg11 : memref<!tpu.dma_semaphore, #tpu.memory_space<semaphore_mem>>)
      %sub3A_177 = arith.constant 2 : i32
      %sub3A_178 = arith.subi %add3A_156, %sub3A_177 : i32
      %mul3A_179 = arith.constant 128 : i32
      %mul3A_180 = arith.muli %sub3A_178, %mul3A_179 : i32
      %dma_wait3A_181 = tpu.memref_slice %arg6[%mul3A_180] : memref<25600xi32, #tpu.memory_space<vmem>> -> memref<128xi32, #tpu.memory_space<vmem>>
      %dma_wait3A_182 = arith.constant 0 : i32
      %dma_wait3A_183 = arith.constant 0 : i32
      %dma_wait3A_184 = tpu.memref_slice %arg3[%dma_wait3A_182, %dma_wait3A_183] : memref<1000000x128xf32, #tpu.memory_space<hbm>> -> memref<1000000x128xf32, #tpu.memory_space<hbm>>
      tpu.wait_indirect_dma semaphore(%arg13 : memref<!tpu.dma_semaphore, #tpu.memory_space<semaphore_mem>>) src(%dma_wait3A_184 : memref<1000000x128xf32, #tpu.memory_space<hbm>>) dst(%arg9 : memref<128x128xf32, #tpu.memory_space<vmem>>)
      %sub3A_185 = arith.constant 2 : i32
      %sub3A_186 = arith.subi %add3A_156, %sub3A_185 : i32
      %mul3A_187 = arith.constant 128 : i32
      %mul3A_188 = arith.muli %sub3A_186, %mul3A_187 : i32
      %add3A_189 = arith.addi %mul3A_2, %mul3A_188 : i32
      %dma_start3A_190 = arith.constant 0 : i32
      %dma_start3A_191 = arith.constant 0 : i32
      %dma_start3A_192 = tpu.memref_slice %arg9[%dma_start3A_190, %dma_start3A_191] : memref<128x128xf32, #tpu.memory_space<vmem>> -> memref<128x64xf32, #tpu.memory_space<vmem>>
      %dma_start3A_193 = arith.constant 0 : i32
      %dma_start3A_194 = tpu.memref_slice %arg4[%add3A_189, %dma_start3A_193] : memref<819200x128xf32, #tpu.memory_space<hbm>> -> memref<128x64xf32, #tpu.memory_space<hbm>>
      %dma_start3A_195 = arith.constant 0 : i32
      %dma_start3A_196 = tpu.memref_slice %arg4[%add3A_189, %dma_start3A_195] : memref<819200x128xf32, #tpu.memory_space<hbm>> -> memref<128x64xf32, #tpu.memory_space<hbm>>
      %dma_start3A_197 = arith.constant 0 : i32
      %dma_start3A_198 = arith.constant 0 : i32
      %dma_start3A_199 = tpu.memref_slice %arg9[%dma_start3A_197, %dma_start3A_198] : memref<128x128xf32, #tpu.memory_space<vmem>> -> memref<128x64xf32, #tpu.memory_space<vmem>>
      tpu.enqueue_dma source(%dma_start3A_199 : memref<128x64xf32, #tpu.memory_space<vmem>>) target(%dma_start3A_196 : memref<128x64xf32, #tpu.memory_space<hbm>>) target_semaphore(%arg17 : memref<!tpu.dma_semaphore, #tpu.memory_space<semaphore_mem>>)
      %mul3A_200 = arith.constant 4 : i32
      %mul3A_201 = arith.muli %add3A_152, %mul3A_200 : i32
      %add3A_202 = arith.constant 1 : i32
      %add3A_203 = arith.addi %mul3A_201, %add3A_202 : i32
      %sub3A_204 = arith.constant 4 : i32
      %sub3A_205 = arith.subi %add3A_203, %sub3A_204 : i32
      %mul3A_206 = arith.constant 128 : i32
      %mul3A_207 = arith.muli %sub3A_205, %mul3A_206 : i32
      %add3A_208 = arith.addi %mul3A_2, %mul3A_207 : i32
      %dma_wait3A_209 = arith.constant 0 : i32
      %dma_wait3A_210 = arith.constant 0 : i32
      %dma_wait3A_211 = tpu.memref_slice %arg8[%dma_wait3A_209, %dma_wait3A_210] : memref<128x128xf32, #tpu.memory_space<vmem>> -> memref<128x64xf32, #tpu.memory_space<vmem>>
      %dma_wait3A_212 = arith.constant 0 : i32
      %dma_wait3A_213 = tpu.memref_slice %arg4[%add3A_208, %dma_wait3A_212] : memref<819200x128xf32, #tpu.memory_space<hbm>> -> memref<128x64xf32, #tpu.memory_space<hbm>>
      %dma_wait3A_214 = arith.constant 0 : i32
      %dma_wait3A_215 = tpu.memref_slice %arg4[%add3A_208, %dma_wait3A_214] : memref<819200x128xf32, #tpu.memory_space<hbm>> -> memref<128x64xf32, #tpu.memory_space<hbm>>
      %dma_wait3A_216 = arith.constant 0 : i32
      %dma_wait3A_217 = arith.constant 0 : i32
      %dma_wait3A_218 = tpu.memref_slice %arg8[%dma_wait3A_216, %dma_wait3A_217] : memref<128x128xf32, #tpu.memory_space<vmem>> -> memref<128x64xf32, #tpu.memory_space<vmem>>
      tpu.wait_dma2 semaphore(%arg16 : memref<!tpu.dma_semaphore, #tpu.memory_space<semaphore_mem>>) src(%dma_wait3A_218 : memref<128x64xf32, #tpu.memory_space<vmem>>) dst(%dma_wait3A_215 : memref<128x64xf32, #tpu.memory_space<hbm>>)
      %mul3A_219 = arith.constant 128 : i32
      %mul3A_220 = arith.muli %add3A_203, %mul3A_219 : i32
      %dma_start3A_221 = tpu.memref_slice %arg6[%mul3A_220] : memref<25600xi32, #tpu.memory_space<vmem>> -> memref<128xi32, #tpu.memory_space<vmem>>
      %dma_start3A_222 = arith.constant 0 : i32
      %dma_start3A_223 = arith.constant 0 : i32
      %dma_start3A_224 = tpu.memref_slice %arg3[%dma_start3A_222, %dma_start3A_223] : memref<1000000x128xf32, #tpu.memory_space<hbm>> -> memref<1000000x128xf32, #tpu.memory_space<hbm>>
      tpu.enqueue_indirect_dma source(%dma_start3A_224 : memref<1000000x128xf32, #tpu.memory_space<hbm>>) target(%arg8 : memref<128x128xf32, #tpu.memory_space<vmem>>) offsets(%dma_start3A_221 : memref<128xi32, #tpu.memory_space<vmem>>) semaphore(%arg12 : memref<!tpu.dma_semaphore, #tpu.memory_space<semaphore_mem>>)
      %sub3A_225 = arith.constant 2 : i32
      %sub3A_226 = arith.subi %add3A_203, %sub3A_225 : i32
      %mul3A_227 = arith.constant 128 : i32
      %mul3A_228 = arith.muli %sub3A_226, %mul3A_227 : i32
      %dma_wait3A_229 = tpu.memref_slice %arg6[%mul3A_228] : memref<25600xi32, #tpu.memory_space<vmem>> -> memref<128xi32, #tpu.memory_space<vmem>>
      %dma_wait3A_230 = arith.constant 0 : i32
      %dma_wait3A_231 = arith.constant 0 : i32
      %dma_wait3A_232 = tpu.memref_slice %arg3[%dma_wait3A_230, %dma_wait3A_231] : memref<1000000x128xf32, #tpu.memory_space<hbm>> -> memref<1000000x128xf32, #tpu.memory_space<hbm>>
      tpu.wait_indirect_dma semaphore(%arg14 : memref<!tpu.dma_semaphore, #tpu.memory_space<semaphore_mem>>) src(%dma_wait3A_232 : memref<1000000x128xf32, #tpu.memory_space<hbm>>) dst(%arg10 : memref<128x128xf32, #tpu.memory_space<vmem>>)
      %sub3A_233 = arith.constant 2 : i32
      %sub3A_234 = arith.subi %add3A_203, %sub3A_233 : i32
      %mul3A_235 = arith.constant 128 : i32
      %mul3A_236 = arith.muli %sub3A_234, %mul3A_235 : i32
      %add3A_237 = arith.addi %mul3A_2, %mul3A_236 : i32
      %dma_start3A_238 = arith.constant 0 : i32
      %dma_start3A_239 = arith.constant 0 : i32
      %dma_start3A_240 = tpu.memref_slice %arg10[%dma_start3A_238, %dma_start3A_239] : memref<128x128xf32, #tpu.memory_space<vmem>> -> memref<128x64xf32, #tpu.memory_space<vmem>>
      %dma_start3A_241 = arith.constant 0 : i32
      %dma_start3A_242 = tpu.memref_slice %arg4[%add3A_237, %dma_start3A_241] : memref<819200x128xf32, #tpu.memory_space<hbm>> -> memref<128x64xf32, #tpu.memory_space<hbm>>
      %dma_start3A_243 = arith.constant 0 : i32
      %dma_start3A_244 = tpu.memref_slice %arg4[%add3A_237, %dma_start3A_243] : memref<819200x128xf32, #tpu.memory_space<hbm>> -> memref<128x64xf32, #tpu.memory_space<hbm>>
      %dma_start3A_245 = arith.constant 0 : i32
      %dma_start3A_246 = arith.constant 0 : i32
      %dma_start3A_247 = tpu.memref_slice %arg10[%dma_start3A_245, %dma_start3A_246] : memref<128x128xf32, #tpu.memory_space<vmem>> -> memref<128x64xf32, #tpu.memory_space<vmem>>
      tpu.enqueue_dma source(%dma_start3A_247 : memref<128x64xf32, #tpu.memory_space<vmem>>) target(%dma_start3A_244 : memref<128x64xf32, #tpu.memory_space<hbm>>) target_semaphore(%arg18 : memref<!tpu.dma_semaphore, #tpu.memory_space<semaphore_mem>>)
      %mul3A_248 = arith.constant 4 : i32
      %mul3A_249 = arith.muli %add3A_152, %mul3A_248 : i32
      %add3A_250 = arith.constant 2 : i32
      %add3A_251 = arith.addi %mul3A_249, %add3A_250 : i32
      %sub3A_252 = arith.constant 4 : i32
      %sub3A_253 = arith.subi %add3A_251, %sub3A_252 : i32
      %mul3A_254 = arith.constant 128 : i32
      %mul3A_255 = arith.muli %sub3A_253, %mul3A_254 : i32
      %add3A_256 = arith.addi %mul3A_2, %mul3A_255 : i32
      %dma_wait3A_257 = arith.constant 0 : i32
      %dma_wait3A_258 = arith.constant 0 : i32
      %dma_wait3A_259 = tpu.memref_slice %arg9[%dma_wait3A_257, %dma_wait3A_258] : memref<128x128xf32, #tpu.memory_space<vmem>> -> memref<128x64xf32, #tpu.memory_space<vmem>>
      %dma_wait3A_260 = arith.constant 0 : i32
      %dma_wait3A_261 = tpu.memref_slice %arg4[%add3A_256, %dma_wait3A_260] : memref<819200x128xf32, #tpu.memory_space<hbm>> -> memref<128x64xf32, #tpu.memory_space<hbm>>
      %dma_wait3A_262 = arith.constant 0 : i32
      %dma_wait3A_263 = tpu.memref_slice %arg4[%add3A_256, %dma_wait3A_262] : memref<819200x128xf32, #tpu.memory_space<hbm>> -> memref<128x64xf32, #tpu.memory_space<hbm>>
      %dma_wait3A_264 = arith.constant 0 : i32
      %dma_wait3A_265 = arith.constant 0 : i32
      %dma_wait3A_266 = tpu.memref_slice %arg9[%dma_wait3A_264, %dma_wait3A_265] : memref<128x128xf32, #tpu.memory_space<vmem>> -> memref<128x64xf32, #tpu.memory_space<vmem>>
      tpu.wait_dma2 semaphore(%arg17 : memref<!tpu.dma_semaphore, #tpu.memory_space<semaphore_mem>>) src(%dma_wait3A_266 : memref<128x64xf32, #tpu.memory_space<vmem>>) dst(%dma_wait3A_263 : memref<128x64xf32, #tpu.memory_space<hbm>>)
      %mul3A_267 = arith.constant 128 : i32
      %mul3A_268 = arith.muli %add3A_251, %mul3A_267 : i32
      %dma_start3A_269 = tpu.memref_slice %arg6[%mul3A_268] : memref<25600xi32, #tpu.memory_space<vmem>> -> memref<128xi32, #tpu.memory_space<vmem>>
      %dma_start3A_270 = arith.constant 0 : i32
      %dma_start3A_271 = arith.constant 0 : i32
      %dma_start3A_272 = tpu.memref_slice %arg3[%dma_start3A_270, %dma_start3A_271] : memref<1000000x128xf32, #tpu.memory_space<hbm>> -> memref<1000000x128xf32, #tpu.memory_space<hbm>>
      tpu.enqueue_indirect_dma source(%dma_start3A_272 : memref<1000000x128xf32, #tpu.memory_space<hbm>>) target(%arg9 : memref<128x128xf32, #tpu.memory_space<vmem>>) offsets(%dma_start3A_269 : memref<128xi32, #tpu.memory_space<vmem>>) semaphore(%arg13 : memref<!tpu.dma_semaphore, #tpu.memory_space<semaphore_mem>>)
      %sub3A_273 = arith.constant 2 : i32
      %sub3A_274 = arith.subi %add3A_251, %sub3A_273 : i32
      %mul3A_275 = arith.constant 128 : i32
      %mul3A_276 = arith.muli %sub3A_274, %mul3A_275 : i32
      %dma_wait3A_277 = tpu.memref_slice %arg6[%mul3A_276] : memref<25600xi32, #tpu.memory_space<vmem>> -> memref<128xi32, #tpu.memory_space<vmem>>
      %dma_wait3A_278 = arith.constant 0 : i32
      %dma_wait3A_279 = arith.constant 0 : i32
      %dma_wait3A_280 = tpu.memref_slice %arg3[%dma_wait3A_278, %dma_wait3A_279] : memref<1000000x128xf32, #tpu.memory_space<hbm>> -> memref<1000000x128xf32, #tpu.memory_space<hbm>>
      tpu.wait_indirect_dma semaphore(%arg11 : memref<!tpu.dma_semaphore, #tpu.memory_space<semaphore_mem>>) src(%dma_wait3A_280 : memref<1000000x128xf32, #tpu.memory_space<hbm>>) dst(%arg7 : memref<128x128xf32, #tpu.memory_space<vmem>>)
      %sub3A_281 = arith.constant 2 : i32
      %sub3A_282 = arith.subi %add3A_251, %sub3A_281 : i32
      %mul3A_283 = arith.constant 128 : i32
      %mul3A_284 = arith.muli %sub3A_282, %mul3A_283 : i32
      %add3A_285 = arith.addi %mul3A_2, %mul3A_284 : i32
      %dma_start3A_286 = arith.constant 0 : i32
      %dma_start3A_287 = arith.constant 0 : i32
      %dma_start3A_288 = tpu.memref_slice %arg7[%dma_start3A_286, %dma_start3A_287] : memref<128x128xf32, #tpu.memory_space<vmem>> -> memref<128x64xf32, #tpu.memory_space<vmem>>
      %dma_start3A_289 = arith.constant 0 : i32
      %dma_start3A_290 = tpu.memref_slice %arg4[%add3A_285, %dma_start3A_289] : memref<819200x128xf32, #tpu.memory_space<hbm>> -> memref<128x64xf32, #tpu.memory_space<hbm>>
      %dma_start3A_291 = arith.constant 0 : i32
      %dma_start3A_292 = tpu.memref_slice %arg4[%add3A_285, %dma_start3A_291] : memref<819200x128xf32, #tpu.memory_space<hbm>> -> memref<128x64xf32, #tpu.memory_space<hbm>>
      %dma_start3A_293 = arith.constant 0 : i32
      %dma_start3A_294 = arith.constant 0 : i32
      %dma_start3A_295 = tpu.memref_slice %arg7[%dma_start3A_293, %dma_start3A_294] : memref<128x128xf32, #tpu.memory_space<vmem>> -> memref<128x64xf32, #tpu.memory_space<vmem>>
      tpu.enqueue_dma source(%dma_start3A_295 : memref<128x64xf32, #tpu.memory_space<vmem>>) target(%dma_start3A_292 : memref<128x64xf32, #tpu.memory_space<hbm>>) target_semaphore(%arg15 : memref<!tpu.dma_semaphore, #tpu.memory_space<semaphore_mem>>)
      %mul3A_296 = arith.constant 4 : i32
      %mul3A_297 = arith.muli %add3A_152, %mul3A_296 : i32
      %add3A_298 = arith.constant 3 : i32
      %add3A_299 = arith.addi %mul3A_297, %add3A_298 : i32
      %sub3A_300 = arith.constant 4 : i32
      %sub3A_301 = arith.subi %add3A_299, %sub3A_300 : i32
      %mul3A_302 = arith.constant 128 : i32
      %mul3A_303 = arith.muli %sub3A_301, %mul3A_302 : i32
      %add3A_304 = arith.addi %mul3A_2, %mul3A_303 : i32
      %dma_wait3A_305 = arith.constant 0 : i32
      %dma_wait3A_306 = arith.constant 0 : i32
      %dma_wait3A_307 = tpu.memref_slice %arg10[%dma_wait3A_305, %dma_wait3A_306] : memref<128x128xf32, #tpu.memory_space<vmem>> -> memref<128x64xf32, #tpu.memory_space<vmem>>
      %dma_wait3A_308 = arith.constant 0 : i32
      %dma_wait3A_309 = tpu.memref_slice %arg4[%add3A_304, %dma_wait3A_308] : memref<819200x128xf32, #tpu.memory_space<hbm>> -> memref<128x64xf32, #tpu.memory_space<hbm>>
      %dma_wait3A_310 = arith.constant 0 : i32
      %dma_wait3A_311 = tpu.memref_slice %arg4[%add3A_304, %dma_wait3A_310] : memref<819200x128xf32, #tpu.memory_space<hbm>> -> memref<128x64xf32, #tpu.memory_space<hbm>>
      %dma_wait3A_312 = arith.constant 0 : i32
      %dma_wait3A_313 = arith.constant 0 : i32
      %dma_wait3A_314 = tpu.memref_slice %arg10[%dma_wait3A_312, %dma_wait3A_313] : memref<128x128xf32, #tpu.memory_space<vmem>> -> memref<128x64xf32, #tpu.memory_space<vmem>>
      tpu.wait_dma2 semaphore(%arg18 : memref<!tpu.dma_semaphore, #tpu.memory_space<semaphore_mem>>) src(%dma_wait3A_314 : memref<128x64xf32, #tpu.memory_space<vmem>>) dst(%dma_wait3A_311 : memref<128x64xf32, #tpu.memory_space<hbm>>)
      %mul3A_315 = arith.constant 128 : i32
      %mul3A_316 = arith.muli %add3A_299, %mul3A_315 : i32
      %dma_start3A_317 = tpu.memref_slice %arg6[%mul3A_316] : memref<25600xi32, #tpu.memory_space<vmem>> -> memref<128xi32, #tpu.memory_space<vmem>>
      %dma_start3A_318 = arith.constant 0 : i32
      %dma_start3A_319 = arith.constant 0 : i32
      %dma_start3A_320 = tpu.memref_slice %arg3[%dma_start3A_318, %dma_start3A_319] : memref<1000000x128xf32, #tpu.memory_space<hbm>> -> memref<1000000x128xf32, #tpu.memory_space<hbm>>
      tpu.enqueue_indirect_dma source(%dma_start3A_320 : memref<1000000x128xf32, #tpu.memory_space<hbm>>) target(%arg10 : memref<128x128xf32, #tpu.memory_space<vmem>>) offsets(%dma_start3A_317 : memref<128xi32, #tpu.memory_space<vmem>>) semaphore(%arg14 : memref<!tpu.dma_semaphore, #tpu.memory_space<semaphore_mem>>)
      %sub3A_321 = arith.constant 2 : i32
      %sub3A_322 = arith.subi %add3A_299, %sub3A_321 : i32
      %mul3A_323 = arith.constant 128 : i32
      %mul3A_324 = arith.muli %sub3A_322, %mul3A_323 : i32
      %dma_wait3A_325 = tpu.memref_slice %arg6[%mul3A_324] : memref<25600xi32, #tpu.memory_space<vmem>> -> memref<128xi32, #tpu.memory_space<vmem>>
      %dma_wait3A_326 = arith.constant 0 : i32
      %dma_wait3A_327 = arith.constant 0 : i32
      %dma_wait3A_328 = tpu.memref_slice %arg3[%dma_wait3A_326, %dma_wait3A_327] : memref<1000000x128xf32, #tpu.memory_space<hbm>> -> memref<1000000x128xf32, #tpu.memory_space<hbm>>
      tpu.wait_indirect_dma semaphore(%arg12 : memref<!tpu.dma_semaphore, #tpu.memory_space<semaphore_mem>>) src(%dma_wait3A_328 : memref<1000000x128xf32, #tpu.memory_space<hbm>>) dst(%arg8 : memref<128x128xf32, #tpu.memory_space<vmem>>)
      %sub3A_329 = arith.constant 2 : i32
      %sub3A_330 = arith.subi %add3A_299, %sub3A_329 : i32
      %mul3A_331 = arith.constant 128 : i32
      %mul3A_332 = arith.muli %sub3A_330, %mul3A_331 : i32
      %add3A_333 = arith.addi %mul3A_2, %mul3A_332 : i32
      %dma_start3A_334 = arith.constant 0 : i32
      %dma_start3A_335 = arith.constant 0 : i32
      %dma_start3A_336 = tpu.memref_slice %arg8[%dma_start3A_334, %dma_start3A_335] : memref<128x128xf32, #tpu.memory_space<vmem>> -> memref<128x64xf32, #tpu.memory_space<vmem>>
      %dma_start3A_337 = arith.constant 0 : i32
      %dma_start3A_338 = tpu.memref_slice %arg4[%add3A_333, %dma_start3A_337] : memref<819200x128xf32, #tpu.memory_space<hbm>> -> memref<128x64xf32, #tpu.memory_space<hbm>>
      %dma_start3A_339 = arith.constant 0 : i32
      %dma_start3A_340 = tpu.memref_slice %arg4[%add3A_333, %dma_start3A_339] : memref<819200x128xf32, #tpu.memory_space<hbm>> -> memref<128x64xf32, #tpu.memory_space<hbm>>
      %dma_start3A_341 = arith.constant 0 : i32
      %dma_start3A_342 = arith.constant 0 : i32
      %dma_start3A_343 = tpu.memref_slice %arg8[%dma_start3A_341, %dma_start3A_342] : memref<128x128xf32, #tpu.memory_space<vmem>> -> memref<128x64xf32, #tpu.memory_space<vmem>>
      tpu.enqueue_dma source(%dma_start3A_343 : memref<128x64xf32, #tpu.memory_space<vmem>>) target(%dma_start3A_340 : memref<128x64xf32, #tpu.memory_space<hbm>>) target_semaphore(%arg16 : memref<!tpu.dma_semaphore, #tpu.memory_space<semaphore_mem>>)
    }
    %scan3A_65 = arith.constant 49 : i32
    %dma_wait3A_66 = arith.constant 25344 : i32
    %dma_wait3A_67 = tpu.memref_slice %arg6[%dma_wait3A_66] : memref<25600xi32, #tpu.memory_space<vmem>> -> memref<128xi32, #tpu.memory_space<vmem>>
    %dma_wait3A_68 = arith.constant 0 : i32
    %dma_wait3A_69 = arith.constant 0 : i32
    %dma_wait3A_70 = tpu.memref_slice %arg3[%dma_wait3A_68, %dma_wait3A_69] : memref<1000000x128xf32, #tpu.memory_space<hbm>> -> memref<1000000x128xf32, #tpu.memory_space<hbm>>
    tpu.wait_indirect_dma semaphore(%arg13 : memref<!tpu.dma_semaphore, #tpu.memory_space<semaphore_mem>>) src(%dma_wait3A_70 : memref<1000000x128xf32, #tpu.memory_space<hbm>>) dst(%arg9 : memref<128x128xf32, #tpu.memory_space<vmem>>)
    %add3A_71 = arith.constant 25344 : i32
    %add3A_72 = arith.addi %mul3A_2, %add3A_71 : i32
    %dma_start3A_73 = arith.constant 0 : i32
    %dma_start3A_74 = arith.constant 0 : i32
    %dma_start3A_75 = tpu.memref_slice %arg9[%dma_start3A_73, %dma_start3A_74] : memref<128x128xf32, #tpu.memory_space<vmem>> -> memref<128x64xf32, #tpu.memory_space<vmem>>
    %dma_start3A_76 = arith.constant 0 : i32
    %dma_start3A_77 = tpu.memref_slice %arg4[%add3A_72, %dma_start3A_76] : memref<819200x128xf32, #tpu.memory_space<hbm>> -> memref<128x64xf32, #tpu.memory_space<hbm>>
    %dma_start3A_78 = arith.constant 0 : i32
    %dma_start3A_79 = tpu.memref_slice %arg4[%add3A_72, %dma_start3A_78] : memref<819200x128xf32, #tpu.memory_space<hbm>> -> memref<128x64xf32, #tpu.memory_space<hbm>>
    %dma_start3A_80 = arith.constant 0 : i32
    %dma_start3A_81 = arith.constant 0 : i32
    %dma_start3A_82 = tpu.memref_slice %arg9[%dma_start3A_80, %dma_start3A_81] : memref<128x128xf32, #tpu.memory_space<vmem>> -> memref<128x64xf32, #tpu.memory_space<vmem>>
    tpu.enqueue_dma source(%dma_start3A_82 : memref<128x64xf32, #tpu.memory_space<vmem>>) target(%dma_start3A_79 : memref<128x64xf32, #tpu.memory_space<hbm>>) target_semaphore(%arg17 : memref<!tpu.dma_semaphore, #tpu.memory_space<semaphore_mem>>)
    %dma_wait3A_83 = arith.constant 25472 : i32
    %dma_wait3A_84 = tpu.memref_slice %arg6[%dma_wait3A_83] : memref<25600xi32, #tpu.memory_space<vmem>> -> memref<128xi32, #tpu.memory_space<vmem>>
    %dma_wait3A_85 = arith.constant 0 : i32
    %dma_wait3A_86 = arith.constant 0 : i32
    %dma_wait3A_87 = tpu.memref_slice %arg3[%dma_wait3A_85, %dma_wait3A_86] : memref<1000000x128xf32, #tpu.memory_space<hbm>> -> memref<1000000x128xf32, #tpu.memory_space<hbm>>
    tpu.wait_indirect_dma semaphore(%arg14 : memref<!tpu.dma_semaphore, #tpu.memory_space<semaphore_mem>>) src(%dma_wait3A_87 : memref<1000000x128xf32, #tpu.memory_space<hbm>>) dst(%arg10 : memref<128x128xf32, #tpu.memory_space<vmem>>)
    %add3A_88 = arith.constant 25472 : i32
    %add3A_89 = arith.addi %mul3A_2, %add3A_88 : i32
    %dma_start3A_90 = arith.constant 0 : i32
    %dma_start3A_91 = arith.constant 0 : i32
    %dma_start3A_92 = tpu.memref_slice %arg10[%dma_start3A_90, %dma_start3A_91] : memref<128x128xf32, #tpu.memory_space<vmem>> -> memref<128x64xf32, #tpu.memory_space<vmem>>
    %dma_start3A_93 = arith.constant 0 : i32
    %dma_start3A_94 = tpu.memref_slice %arg4[%add3A_89, %dma_start3A_93] : memref<819200x128xf32, #tpu.memory_space<hbm>> -> memref<128x64xf32, #tpu.memory_space<hbm>>
    %dma_start3A_95 = arith.constant 0 : i32
    %dma_start3A_96 = tpu.memref_slice %arg4[%add3A_89, %dma_start3A_95] : memref<819200x128xf32, #tpu.memory_space<hbm>> -> memref<128x64xf32, #tpu.memory_space<hbm>>
    %dma_start3A_97 = arith.constant 0 : i32
    %dma_start3A_98 = arith.constant 0 : i32
    %dma_start3A_99 = tpu.memref_slice %arg10[%dma_start3A_97, %dma_start3A_98] : memref<128x128xf32, #tpu.memory_space<vmem>> -> memref<128x64xf32, #tpu.memory_space<vmem>>
    tpu.enqueue_dma source(%dma_start3A_99 : memref<128x64xf32, #tpu.memory_space<vmem>>) target(%dma_start3A_96 : memref<128x64xf32, #tpu.memory_space<hbm>>) target_semaphore(%arg18 : memref<!tpu.dma_semaphore, #tpu.memory_space<semaphore_mem>>)
    %add3A_100 = arith.constant 25088 : i32
    %add3A_101 = arith.addi %mul3A_2, %add3A_100 : i32
    %dma_wait3A_102 = arith.constant 0 : i32
    %dma_wait3A_103 = arith.constant 0 : i32
    %dma_wait3A_104 = tpu.memref_slice %arg7[%dma_wait3A_102, %dma_wait3A_103] : memref<128x128xf32, #tpu.memory_space<vmem>> -> memref<128x64xf32, #tpu.memory_space<vmem>>
    %dma_wait3A_105 = arith.constant 0 : i32
    %dma_wait3A_106 = tpu.memref_slice %arg4[%add3A_101, %dma_wait3A_105] : memref<819200x128xf32, #tpu.memory_space<hbm>> -> memref<128x64xf32, #tpu.memory_space<hbm>>
    %dma_wait3A_107 = arith.constant 0 : i32
    %dma_wait3A_108 = tpu.memref_slice %arg4[%add3A_101, %dma_wait3A_107] : memref<819200x128xf32, #tpu.memory_space<hbm>> -> memref<128x64xf32, #tpu.memory_space<hbm>>
    %dma_wait3A_109 = arith.constant 0 : i32
    %dma_wait3A_110 = arith.constant 0 : i32
    %dma_wait3A_111 = tpu.memref_slice %arg7[%dma_wait3A_109, %dma_wait3A_110] : memref<128x128xf32, #tpu.memory_space<vmem>> -> memref<128x64xf32, #tpu.memory_space<vmem>>
    tpu.wait_dma2 semaphore(%arg15 : memref<!tpu.dma_semaphore, #tpu.memory_space<semaphore_mem>>) src(%dma_wait3A_111 : memref<128x64xf32, #tpu.memory_space<vmem>>) dst(%dma_wait3A_108 : memref<128x64xf32, #tpu.memory_space<hbm>>)
    %add3A_112 = arith.constant 25216 : i32
    %add3A_113 = arith.addi %mul3A_2, %add3A_112 : i32
    %dma_wait3A_114 = arith.constant 0 : i32
    %dma_wait3A_115 = arith.constant 0 : i32
    %dma_wait3A_116 = tpu.memref_slice %arg8[%dma_wait3A_114, %dma_wait3A_115] : memref<128x128xf32, #tpu.memory_space<vmem>> -> memref<128x64xf32, #tpu.memory_space<vmem>>
    %dma_wait3A_117 = arith.constant 0 : i32
    %dma_wait3A_118 = tpu.memref_slice %arg4[%add3A_113, %dma_wait3A_117] : memref<819200x128xf32, #tpu.memory_space<hbm>> -> memref<128x64xf32, #tpu.memory_space<hbm>>
    %dma_wait3A_119 = arith.constant 0 : i32
    %dma_wait3A_120 = tpu.memref_slice %arg4[%add3A_113, %dma_wait3A_119] : memref<819200x128xf32, #tpu.memory_space<hbm>> -> memref<128x64xf32, #tpu.memory_space<hbm>>
    %dma_wait3A_121 = arith.constant 0 : i32
    %dma_wait3A_122 = arith.constant 0 : i32
    %dma_wait3A_123 = tpu.memref_slice %arg8[%dma_wait3A_121, %dma_wait3A_122] : memref<128x128xf32, #tpu.memory_space<vmem>> -> memref<128x64xf32, #tpu.memory_space<vmem>>
    tpu.wait_dma2 semaphore(%arg16 : memref<!tpu.dma_semaphore, #tpu.memory_space<semaphore_mem>>) src(%dma_wait3A_123 : memref<128x64xf32, #tpu.memory_space<vmem>>) dst(%dma_wait3A_120 : memref<128x64xf32, #tpu.memory_space<hbm>>)
    %add3A_124 = arith.constant 25344 : i32
    %add3A_125 = arith.addi %mul3A_2, %add3A_124 : i32
    %dma_wait3A_126 = arith.constant 0 : i32
    %dma_wait3A_127 = arith.constant 0 : i32
    %dma_wait3A_128 = tpu.memref_slice %arg9[%dma_wait3A_126, %dma_wait3A_127] : memref<128x128xf32, #tpu.memory_space<vmem>> -> memref<128x64xf32, #tpu.memory_space<vmem>>
    %dma_wait3A_129 = arith.constant 0 : i32
    %dma_wait3A_130 = tpu.memref_slice %arg4[%add3A_125, %dma_wait3A_129] : memref<819200x128xf32, #tpu.memory_space<hbm>> -> memref<128x64xf32, #tpu.memory_space<hbm>>
    %dma_wait3A_131 = arith.constant 0 : i32
    %dma_wait3A_132 = tpu.memref_slice %arg4[%add3A_125, %dma_wait3A_131] : memref<819200x128xf32, #tpu.memory_space<hbm>> -> memref<128x64xf32, #tpu.memory_space<hbm>>
    %dma_wait3A_133 = arith.constant 0 : i32
    %dma_wait3A_134 = arith.constant 0 : i32
    %dma_wait3A_135 = tpu.memref_slice %arg9[%dma_wait3A_133, %dma_wait3A_134] : memref<128x128xf32, #tpu.memory_space<vmem>> -> memref<128x64xf32, #tpu.memory_space<vmem>>
    tpu.wait_dma2 semaphore(%arg17 : memref<!tpu.dma_semaphore, #tpu.memory_space<semaphore_mem>>) src(%dma_wait3A_135 : memref<128x64xf32, #tpu.memory_space<vmem>>) dst(%dma_wait3A_132 : memref<128x64xf32, #tpu.memory_space<hbm>>)
    %add3A_136 = arith.constant 25472 : i32
    %add3A_137 = arith.addi %mul3A_2, %add3A_136 : i32
    %dma_wait3A_138 = arith.constant 0 : i32
    %dma_wait3A_139 = arith.constant 0 : i32
    %dma_wait3A_140 = tpu.memref_slice %arg10[%dma_wait3A_138, %dma_wait3A_139] : memref<128x128xf32, #tpu.memory_space<vmem>> -> memref<128x64xf32, #tpu.memory_space<vmem>>
    %dma_wait3A_141 = arith.constant 0 : i32
    %dma_wait3A_142 = tpu.memref_slice %arg4[%add3A_137, %dma_wait3A_141] : memref<819200x128xf32, #tpu.memory_space<hbm>> -> memref<128x64xf32, #tpu.memory_space<hbm>>
    %dma_wait3A_143 = arith.constant 0 : i32
    %dma_wait3A_144 = tpu.memref_slice %arg4[%add3A_137, %dma_wait3A_143] : memref<819200x128xf32, #tpu.memory_space<hbm>> -> memref<128x64xf32, #tpu.memory_space<hbm>>
    %dma_wait3A_145 = arith.constant 0 : i32
    %dma_wait3A_146 = arith.constant 0 : i32
    %dma_wait3A_147 = tpu.memref_slice %arg10[%dma_wait3A_145, %dma_wait3A_146] : memref<128x128xf32, #tpu.memory_space<vmem>> -> memref<128x64xf32, #tpu.memory_space<vmem>>
    tpu.wait_dma2 semaphore(%arg18 : memref<!tpu.dma_semaphore, #tpu.memory_space<semaphore_mem>>) src(%dma_wait3A_147 : memref<128x64xf32, #tpu.memory_space<vmem>>) dst(%dma_wait3A_144 : memref<128x64xf32, #tpu.memory_space<hbm>>)
    return
  }
}

</mosaic_0001>

<sc_bundles>
// kernel: kernel.3.cloned.1.call-start
scs
__scs_entry_jumppad:
0x0: {  	(pc) =	sbr.rel $0x88, $3  }
0x1: {  	(tag) =	ssettag $0x0;
	lr =	simm.s32 $0x1  }
0x2: {  	[smem:$0x3F9F] =	sst lr;
	_ =	strace $0xD0000000  }
0x3: {  	_ = 	snop  }
0x4: {  	_ = 	snop  }
0x5: {  	_ = 	snop  }
0x6: {  	_ = 	snop  }
0x7: {  	_ = 	snop  }
__scs_overlays_trampoline_lowered:
0x8: {  	[smem:$0x3FAE] =	sst s0  }
0x9: {  	[smem:$0x3FAF] =	sst s1  }
0xa: {  	[smem:$0x3FB0] =	sst s2  }
0xb: {  	[smem:$0x3FB1] =	sst s3  }
0xc: {  	[smem:$0x3FB2] =	sst s4  }
0xd: {  	[smem:$0x3FB3] =	sst s5  }
0xe: {  	[smem:$0x3FB4] =	sst s6  }
0xf: {  	[smem:$0x3FB5] =	sst s7  }
0x10: {  	[smem:$0x3FB6] =	sst s8  }
0x11: {  	[smem:$0x3FB7] =	sst s9;
	s0 =	simm.s32 @!p0 $0x0  }
0x12: {  	s1 =	sld [smem:$0x3F9D];
	s0 =	simm.s32 @p0 $0x1  }
0x13: {  	[smem:$0x3FB8] =	sst s0;
	s0 =	simm.s32 @!p1 $0x0  }
0x14: {  	s2 =	sld [smem:$0x3F9C];
	s0 =	simm.s32 @p1 $0x1  }
0x15: {  	[smem:$0x3FB9] =	sst s0;
	s0 =	simm.s32 @!p2 $0x0  }
0x16: {  	s3 =	sld [smem:$0x3FDB];
	s0 =	simm.s32 @p2 $0x1  }
0x17: {  	s4 =	simm.s32 $0x1BF5;
	[smem:$0x3FBB] =	sst s0  }
0x18: {  	s0 =	sld [smem:$0x3F9E];
	_ =	swait.ge [sflag:s4], $0x0  }
0x19: {  	s7 =	sld [smem:$0x3F9F]  }
0x1a: {  	s8 =	sadd.s32 $0xFFFFE003, lr  }
0x1b: {  	s9 =	sadd.s32 $0xFFFFFEF7, lr;
	s5 =	simm.s32 $0xFFFFFFFF;
	p2 =	slt.u32 s8, $0xFFFFF086  }
0x1c: {  	p1 =	slt.u32 s9, $0xF7A;
	s5 =	simm.s32 @!p2 $0x0  }
0x1d: {  	s5 =	simm.s32 @p1 $0x1;
	p0 =	seq.s32 s7, s2  }
0x1e: {  	s7 =	smul.u32 @!p0 $0xF7A, s2;
	p2 =	seq.s32 @!p0 s5, $0x0  }
0x1f: {  	s9 =	smul.u32 $0xF7A, s1;
	s8 =	simm.s32 @!p0 $0x1BF5;
	p2 =	por !p2, p0  }
0x20: {  	[sflag:s8] =	ssyncset.s32 @!p0 $0xFFFFF086;
	s6 =	sadd.s32 @!p0 s3, s7;
	s7 =	simm.s32 @!p0 $0x108  }
0x21: {  	s3 =	sadd.s32 s3, s9;
	s6 =	sadd.s32 @!p0 $0x88, s6;
	s7 =	simm.s32 @p2 $0x1082  }
0x22: {  	[simem:s7], [sflag:s8] =	dma.local @!p0 [hbm:s6], $0xF7A  }
0x23: {  	s9 =	sor.u32 $0xD0000000, s2;
	s6 =	simm.s32 $0x108;
	_ =	swait.ge @!p0 [sflag:s8], $0x0  }
0x24: {  	s3 =	sadd.s32 $0x88, s3;
	s6 =	simm.s32 @!p1 $0x1082;
	[sflag:s4] =	ssyncset.s32 $0xFFFFF086  }
0x25: {  	[simem:s6], [sflag:s4] =	dma.local [hbm:s3], $0xF7A  }
0x26: {  	[smem:$0x3F9F] =	sst s1;
	(tag) =	ssettag s2;
	_ =	strace s9  }
0x27: {  	s1 =	sld [smem:$0x3FAF]  }
0x28: {  	s2 =	sld [smem:$0x3FB0]  }
0x29: {  	s4 =	sld [smem:$0x3FB2]  }
0x2a: {  	p0 =	seq.s32 s5, $0x0;
	s5 =	sld [smem:$0x3FB3]  }
0x2b: {  	s6 =	sld [smem:$0x3FB4]  }
0x2c: {  	s7 =	sld [smem:$0x3FB5]  }
0x2d: {  	s3 =	simm.s32 $0x108;
	s8 =	sld [smem:$0x3FB6]  }
0x2e: {  	s3 =	simm.s32 @!p0 $0x1082;
	s9 =	sld [smem:$0x3FB7]  }
0x2f: {  	lr =	sadd.s32 s0, s3;
	s0 =	sld [smem:$0x3FAE]  }
0x30: {  	s3 =	sld [smem:$0x3FB1]  }
0x31: {  	[smem:$0x3FBA] =	sst s10  }
0x32: {  	s10 =	sld [smem:$0x3FB8];
	_ =	sdelay $0x3  }
0x33: {  	p0 =	seq.s32 s10, $0x1;
	s10 =	sld [smem:$0x3FBA];
	_ =	sdelay $0x3  }
0x34: {  	[smem:$0x3FBA] =	sst s10  }
0x35: {  	s10 =	sld [smem:$0x3FB9];
	_ =	sdelay $0x3  }
0x36: {  	p1 =	seq.s32 s10, $0x1;
	s10 =	sld [smem:$0x3FBA];
	_ =	sdelay $0x3  }
0x37: {  	[smem:$0x3FBA] =	sst s10  }
0x38: {  	s10 =	sld [smem:$0x3FBB]  }
0x39: {  	_ = 	snop;
	(pc) =	sbr.ind lr, $3  }
0x3a: {  	_ = 	snop  }
0x3b: {  	_ = 	snop  }
0x3c: {  	p2 =	seq.s32 s10, $0x1;
	s10 =	sld [smem:$0x3FBA]  }
0x3d: {  	_ =	shalt  }
0x3e: {  	_ =	shalt  }
0x3f: {  	_ =	shalt  }
0x40: {  	_ =	shalt  }
0x41: {  	_ =	shalt  }
0x42: {  	_ =	shalt  }
0x43: {  	_ =	shalt  }
0x44: {  	_ =	shalt  }
0x45: {  	_ =	shalt  }
0x46: {  	_ =	shalt  }
0x47: {  	_ =	shalt  }
0x48: {  	_ =	shalt  }
0x49: {  	_ =	shalt  }
0x4a: {  	_ =	shalt  }
0x4b: {  	_ =	shalt  }
0x4c: {  	_ =	shalt  }
0x4d: {  	_ =	shalt  }
0x4e: {  	_ =	shalt  }
0x4f: {  	_ =	shalt  }
0x50: {  	_ =	shalt  }
0x51: {  	_ =	shalt  }
0x52: {  	_ =	shalt  }
0x53: {  	_ =	shalt  }
0x54: {  	_ =	shalt  }
0x55: {  	_ =	shalt  }
0x56: {  	_ =	shalt  }
0x57: {  	_ =	shalt  }
0x58: {  	_ =	shalt  }
0x59: {  	_ =	shalt  }
0x5a: {  	_ =	shalt  }
0x5b: {  	_ =	shalt  }
0x5c: {  	_ =	shalt  }
0x5d: {  	_ =	shalt  }
0x5e: {  	_ =	shalt  }
0x5f: {  	_ =	shalt  }
0x60: {  	_ =	shalt  }
0x61: {  	_ =	shalt  }
0x62: {  	_ =	shalt  }
0x63: {  	_ =	shalt  }
0x64: {  	_ =	shalt  }
0x65: {  	_ =	shalt  }
0x66: {  	_ =	shalt  }
0x67: {  	_ =	shalt  }
0x68: {  	_ =	shalt  }
0x69: {  	_ =	shalt  }
0x6a: {  	_ =	shalt  }
0x6b: {  	_ =	shalt  }
0x6c: {  	_ =	shalt  }
0x6d: {  	_ =	shalt  }
0x6e: {  	_ =	shalt  }
0x6f: {  	_ =	shalt  }
0x70: {  	_ =	shalt  }
0x71: {  	_ =	shalt  }
0x72: {  	_ =	shalt  }
0x73: {  	_ =	shalt  }
0x74: {  	_ =	shalt  }
0x75: {  	_ =	shalt  }
0x76: {  	_ =	shalt  }
0x77: {  	_ =	shalt  }
0x78: {  	_ =	shalt  }
0x79: {  	_ =	shalt  }
0x7a: {  	_ =	shalt  }
0x7b: {  	_ =	shalt  }
0x7c: {  	_ =	shalt  }
0x7d: {  	_ =	shalt  }
0x7e: {  	_ =	shalt  }
0x7f: {  	_ =	shalt  }
0x80: {  	_ =	shalt  }
0x81: {  	_ =	shalt  }
0x82: {  	_ =	shalt  }
0x83: {  	_ =	shalt  }
0x84: {  	_ =	shalt  }
0x85: {  	_ =	shalt  }
0x86: {  	_ =	shalt  }
0x87: {  	_ =	shalt  }
.Lfunc_end0:
.L_simem_size_0:
called_computation.1_lowered:
.L_overlay_start_0:
0x88: {  	s2 =	sld [smem:$0x3FD9]  }
0x89: {  	s3 =	sld [smem:$0x3FFE];
	_ =	sdelay $0x1  }
0x8a: {  	s1 =	srdreg.scid  }
0x8b: {  	s0 =	sand.u32 $0x1, s1  }
0x8c: {  	s17 =	sshll.u32 s0, $0xA;
	s2 =	sadd.s32 s3, s2  }
0x8d: {  	s2 =	sadd.s32 s2, s17  }
0x8e: {  	[smem:$0x3FC6] =	sst s2  }
0x8f: {  	_ = 	snop  }
0x90: {  	s2 =	sld [smem:$0x3FD0];
	(tm) =	ssettm $0x1  }
0x91: {  	s18 =	sld [smem:$0x3FFB];
	_ =	sdelay $0x3  }
0x92: {  	_ =	strace s18  }
0x93: {  	s3 =	sld [smem:$0x3FFC];
	_ =	sdelay $0x3  }
0x94: {  	_ =	strace s3  }
0x95: {  	s3 =	sld [smem:$0x3FFD];
	_ =	sdelay $0x3  }
0x96: {  	_ =	strace s3  }
0x97: {  	_ =	strace $0x8FFFFFFF  }
0x98: {  	s19 =	sld [smem:$0x3FDB];
	_ =	sdelay $0x1  }
0x99: {  	s4 =	simm.s32 $_scs_section_size  }
0x9a: {  	s5 =	simm.s32 $_size__tile_overlayer_lowered;
	s6 =	simm.s32 $_tile_overlayer_lowered  }
0x9b: {  	s22 =	simm.s32 $0x1BFF;
	s21 =	sshll.u32 s6, $0x1;
	s3 =	sadd.s32 s4, s19  }
0x9c: {  	s7 =	simm.s32 $0x0;
	s20 =	sshll.u32 s5, $0x1;
	s5 =	sadd.s32 s21, s3  }
0x9d: {  	[timem:s7], [sflag:s22] =	dma.local [hbm:s5], s20  }
0x9e: {  	_ =	swait.ge [sflag:s22], s20  }
0x9f: {  	s4 =	ssub.s32 $0x0, s20;
	[sflag:s22] =	ssyncset.done $0x0  }
0xa0: {  	[sflag:s22] =	ssyncadd.s32 s4;
	_ =	sdelay $0x1  }
0xa1: {  	s23 =	simm.s32 $0x1B8B  }
0xa2: {  	_ =	swait.ge [sflag:s23], $0x1  }
0xa3: {  	[sflag:s23] =	ssyncset.done $0x0  }
0xa4: {  	s25 =	simm.s32 $0x1B8E;
	s24 =	sld [smem:$0x3FFE];
	[sflag:s23] =	ssyncadd.s32 $0xFFFFFFFF  }
0xa5: {  	s26 =	simm.s32 $execute0_lowered;
	[smem:$0x3FD2] =	sst s25  }
0xa6: {  	s5 =	sshll.u32 s26, $0x1;
	_ =	strace $0x80000046;
	[dreg:$0x1] =	wrdreg $0xFFFFFFFF  }
0xa7: {  	s28 =	simm.s32 $_size_execute0_lowered;
	s3 =	sadd.s32 s3, s5;
	[dreg:$0x0] =	wrdreg $0x0  }
0xa8: {  	s5 =	sshll.u32 s28, $0x1;
	[dreg:$0x2] =	wrdreg s3  }
0xa9: {  	[dreg:$0x3] =	wrdreg s5  }
0xaa: {  	[dreg:$0x4] =	wrdreg $0xC0  }
0xab: {  	_ =	task [dreg:s7], $0x5FFFF  }
0xac: {  	[dreg:$0x1] =	wrdreg $0xFFFFFFFF  }
0xad: {  	[dreg:$0x0] =	wrdreg $0x60  }
0xae: {  	[dreg:$0x2] =	wrdreg s2  }
0xaf: {  	[dreg:$0x3] =	wrdreg s24  }
0xb0: {  	[dreg:$0x4] =	wrdreg $0x9  }
0xb1: {  	_ =	task.clear_ibuf [dreg:s7], $0x5FFFF;
	_ =	strace $0x90000046  }
0xb2: {  	s29 =	simm.s32 $0x9;
	_ =	strace $0x80000048  }
0xb3: {  	_ =	swait.ge [sflag:s29], $0x1  }
0xb4: {  	[sflag:s29] =	ssyncadd.s32 $0xFFFFFFFF  }
0xb5: {  	_ =	strace $0x90000048  }
0xb6: {  	_ =	sfence  }
0xb7: {  	s30 =	sld [smem:$0x0];
	_ =	sdelay $0x2  }
0xb8: {  	s31 =	sshll.u32 s1, $0xD;
	s1 =	sshrl.u32 s1, $0x2  }
0xb9: {  	s3 =	sand.u32 $0x4000, s31;
	s1 =	sadd.s32 s1, s30  }
0xba: {  	s0 =	sor.u32 s3, s0;
	s1 =	sshll.u32 s1, $0x11  }
0xbb: {  	s0 =	sor.u32 s1, s0  }
0xbc: {  	s0 =	sadd.s32 $0x8F2B, s0  }
0xbd: {  	[sflag:s0] =	ssyncadd.remote.s32 $0x1  }
0xbe: {  	_ =	sfence.sel $0xFFFF  }
0xbf: {  	[dreg:$0x0] =	wrdreg $0xFFFFFFFF;
	(pc) =	sbr.abs _section_cstart, $3  }
0xc0: {  	[dreg:$0x1] =	wrdreg $0xFFFFFFFF  }
0xc1: {  	_ =	task.clear_ibuf [dreg:s7], $0x2FFFF;
	_ =	strace $0x9FFFFFFF  }
0xc2: {  	(tm) =	ssettm $0x7FFFFFFF  }
0xc3: {  	_ =	shalt  }
tec
execute0_lowered:
.L_overlay_start_1:
0x0: {  	(tag) =	ssettag $0x1  }
0x1: {  	s0 =	rddreg [dreg:$0x0]  }
0x2: {  	s1 =	srdreg.scid;
	s2 =	stileid.u32  }
0x3: {  	s5 =	rddreg [dreg:$0x1];
	s15 =	simm.s32 $0x80;
	s18 =	simm.s32 $0x11400  }
0x4: {  	s20 =	simm.s32 $0x15400;
	s22 =	simm.s32 $0x19400;
	s23 =	simm.s32 $0x1  }
0x5: {  	s24 =	simm.s32 $0x2;
	s1 =	sand.u32 $0x1, s1;
	s3 =	sshll.u32 s2, $0x1  }
0x6: {  	s28 =	simm.s32 $0x3;
	s29 =	simm.s32 $0x6;
	s6 =	sor.u32 s1, s3  }
0x7: {  	s30 =	simm.s32 $0x4;
	s31 =	simm.s32 $0x7;
	s3 =	smul.u32 $0x6400, s6  }
0x8: {  	s2 =	simm.s32 $0x0;
	s4 =	sadd.s32 $0xF42E00, s5;
	s7 =	smul.u32 $0xE00, s6  }
0x9: {  	s5 =	sadd.s32 $0xA00, s5;
	s1 =	ssub.s32 $0x2, s1;
	s8 =	smul.u32 $0x320000, s6  }
0xa: {  	[smem:$0x7FF] =	sst s2;
	s9 =	sshrl.u32 s1, $0x1;
	s6 =	smul.u32 $0x64000, s6  }
0xb: {  	_ =	strace $0x80000047;
	s1 =	ssub.s32 s1, s9;
	s0 =	sadd.s32 s0, s7  }
0xc: {  	s25 =	sshrl.u32 s8, $0x3;
	s7 =	sadd.s32 s5, s6;
	s8 =	sadd.s32 $0x1FFFF00, s3  }
0xd: {  	s10 =	sadd.s32 $0x1FFFF80, s3;
	s26 =	smax.u32 s1, $0x1;
	s1 =	simm.s32 $0x8  }
0xe: {  	s6 =	simm.s32 $0x0;
	[dreg:$0x3] =	wrdreg s0;
	s0 =	sadd.s32 s5, s25  }
0xf: {  	s9 =	sadd.s32 $0x800, s7;
	[dreg:$0x4] =	wrdreg s26;
	s25 =	simm.s32 $0x5  }
0x10: {  	s26 =	simm.s32 $0xD400;
	s11 =	sadd.s32 $0x63000, s0;
	s12 =	sadd.s32 $0x63800, s0  }
.LBB2_1:
0x11: {  	[dreg:$0x5] =	wrdreg s6  }
0x12: {  	s0 =	rddreg [dreg:$0x3];
	s21 =	simm.s32 $0x9  }
0x13: {  	[tilespmem:s2], [sflag:$0x9] =	stream.linear.gather [hbm4b:s0+s2], $0x7000, $0x38;
	[tilespmem:$0x1D400] =	vst v63  }
0x14: {  	_ =	swait.ge [sflag:s21], $0x7000  }
0x15: {  	[sflag:s21] =	ssyncset.done $0x0  }
0x16: {  	s17 =	simm.s32 $0xE0;
	[sflag:s21] =	ssyncadd.s32 $0xFFFF9000  }
0x17: {  	v0 =	vld [tilespmem:s17+$0xFFFFFF20];
	_ =	sdelay $0x3  }
0x18: {  	s16 =	simm.s32 $0x70C8  }
0x19: {  	[tilespmem:s16+$0xFFFFFF38] =	vst v0  }
0x1a: {  	v0 =	vld [tilespmem:s17+$0xFFFFFF30];
	_ =	sdelay $0x4  }
0x1b: {  	[tilespmem:s16+$0xFFFFFF48] =	vst v0  }
0x1c: {  	v0 =	vld [tilespmem:s17+$0xFFFFFF40];
	_ =	sdelay $0x4  }
0x1d: {  	[tilespmem:s16+$0xFFFFFF58] =	vst v0  }
0x1e: {  	v0 =	vld [tilespmem:s17+$0xFFFFFF42];
	_ =	sdelay $0x4  }
0x1f: {  	[tilespmem:s16+$0xFFFFFF5A] =	vst v0  }
0x20: {  	v0 =	vld [tilespmem:s17+$0xFFFFFF58];
	_ =	sdelay $0x4  }
0x21: {  	[tilespmem:s16+$0xFFFFFF6A] =	vst v0  }
0x22: {  	v0 =	vld [tilespmem:s17+$0xFFFFFF68];
	_ =	sdelay $0x4  }
0x23: {  	[tilespmem:s16+$0xFFFFFF7A] =	vst v0  }
0x24: {  	v0 =	vld [tilespmem:s17+$0xFFFFFF78];
	_ =	sdelay $0x4  }
0x25: {  	[tilespmem:s16+$0xFFFFFF8A] =	vst v0  }
0x26: {  	v0 =	vld [tilespmem:s17+$0xFFFFFF7A];
	_ =	sdelay $0x4  }
0x27: {  	[tilespmem:s16+$0xFFFFFF8C] =	vst v0  }
0x28: {  	v0 =	vld [tilespmem:s17+$0xFFFFFF90];
	_ =	sdelay $0x4  }
0x29: {  	[tilespmem:s16+$0xFFFFFF9C] =	vst v0  }
0x2a: {  	v0 =	vld [tilespmem:s17+$0xFFFFFFA0];
	_ =	sdelay $0x4  }
0x2b: {  	[tilespmem:s16+$0xFFFFFFAC] =	vst v0  }
0x2c: {  	v0 =	vld [tilespmem:s17+$0xFFFFFFB0];
	_ =	sdelay $0x4  }
0x2d: {  	[tilespmem:s16+$0xFFFFFFBC] =	vst v0  }
0x2e: {  	v0 =	vld [tilespmem:s17+$0xFFFFFFB2];
	_ =	sdelay $0x4  }
0x2f: {  	[tilespmem:s16+$0xFFFFFFBE] =	vst v0  }
0x30: {  	v0 =	vld [tilespmem:s17+$0xFFFFFFC8];
	_ =	sdelay $0x4  }
0x31: {  	[tilespmem:s16+$0xFFFFFFCE] =	vst v0  }
0x32: {  	v0 =	vld [tilespmem:s17+$0xFFFFFFD8];
	_ =	sdelay $0x4  }
0x33: {  	[tilespmem:s16+$0xFFFFFFDE] =	vst v0  }
0x34: {  	v0 =	vld [tilespmem:s17+$0xFFFFFFE8];
	_ =	sdelay $0x4  }
0x35: {  	[tilespmem:s16+$0xFFFFFFEE] =	vst v0  }
0x36: {  	v0 =	vld [tilespmem:s17+$0xFFFFFFEA];
	_ =	sdelay $0x4  }
0x37: {  	[tilespmem:s16+$0xFFFFFFF0] =	vst v0  }
0x38: {  	v0 =	vld [tilespmem:s17+$0x0];
	_ =	sdelay $0x4  }
0x39: {  	[tilespmem:s16+$0x0] =	vst v0  }
0x3a: {  	v0 =	vld [tilespmem:s17+$0x10];
	_ =	sdelay $0x4  }
0x3b: {  	[tilespmem:s16+$0x10] =	vst v0  }
0x3c: {  	v0 =	vld [tilespmem:s17+$0x20];
	_ =	sdelay $0x4  }
0x3d: {  	[tilespmem:s16+$0x20] =	vst v0  }
0x3e: {  	v0 =	vld [tilespmem:s17+$0x22];
	_ =	sdelay $0x4  }
0x3f: {  	[tilespmem:s16+$0x22] =	vst v0  }
0x40: {  	v0 =	vld [tilespmem:s17+$0x38];
	_ =	sdelay $0x4  }
0x41: {  	[tilespmem:s16+$0x32] =	vst v0  }
0x42: {  	v0 =	vld [tilespmem:s17+$0x48];
	_ =	sdelay $0x4  }
0x43: {  	[tilespmem:s16+$0x42] =	vst v0  }
0x44: {  	v0 =	vld [tilespmem:s17+$0x58];
	_ =	sdelay $0x4  }
0x45: {  	[tilespmem:s16+$0x52] =	vst v0  }
0x46: {  	v0 =	vld [tilespmem:s17+$0x5A];
	_ =	sdelay $0x4  }
0x47: {  	[tilespmem:s16+$0x54] =	vst v0  }
0x48: {  	v0 =	vld [tilespmem:s17+$0x70];
	_ =	sdelay $0x4  }
0x49: {  	[tilespmem:s16+$0x64] =	vst v0  }
0x4a: {  	v0 =	vld [tilespmem:s17+$0x80];
	_ =	sdelay $0x4  }
0x4b: {  	[tilespmem:s16+$0x74] =	vst v0  }
0x4c: {  	v0 =	vld [tilespmem:s17+$0x90];
	_ =	sdelay $0x4  }
0x4d: {  	[tilespmem:s16+$0x84] =	vst v0  }
0x4e: {  	v0 =	vld [tilespmem:s17+$0x92];
	_ =	sdelay $0x4  }
0x4f: {  	[tilespmem:s16+$0x86] =	vst v0  }
0x50: {  	v0 =	vld [tilespmem:s17+$0xA8];
	_ =	sdelay $0x4  }
0x51: {  	[tilespmem:s16+$0x96] =	vst v0  }
0x52: {  	v0 =	vld [tilespmem:s17+$0xB8];
	_ =	sdelay $0x4  }
0x53: {  	[tilespmem:s16+$0xA6] =	vst v0  }
0x54: {  	v0 =	vld [tilespmem:s17+$0xC8];
	_ =	sdelay $0x4  }
0x55: {  	[tilespmem:s16+$0xB6] =	vst v0  }
0x56: {  	v0 =	vld [tilespmem:s17+$0xCA];
	_ =	sdelay $0x4  }
0x57: {  	s19 =	simm.s32 $0x2A0;
	s17 =	simm.s32 $0x0;
	[tilespmem:s16+$0xB8] =	vst v0  }
.LBB2_2:
0x58: {  	v0 =	vld [tilespmem:s19+$0xFFFFFF20];
	s17 =	sadd.s32 $0x8, s17  }
0x59: {  	p0 =	slt.u32 s17, $0x1F8;
	_ =	sdelay $0x2  }
0x5a: {  	s16 =	sadd.s32 $0x190, s16  }
0x5b: {  	[tilespmem:s16+$0xFFFFFF38] =	vst v0  }
0x5c: {  	v0 =	vld [tilespmem:s19+$0xFFFFFF30];
	_ =	sdelay $0x4  }
0x5d: {  	[tilespmem:s16+$0xFFFFFF48] =	vst v0  }
0x5e: {  	v0 =	vld [tilespmem:s19+$0xFFFFFF40];
	_ =	sdelay $0x4  }
0x5f: {  	[tilespmem:s16+$0xFFFFFF58] =	vst v0  }
0x60: {  	v0 =	vld [tilespmem:s19+$0xFFFFFF42];
	_ =	sdelay $0x4  }
0x61: {  	[tilespmem:s16+$0xFFFFFF5A] =	vst v0  }
0x62: {  	v0 =	vld [tilespmem:s19+$0xFFFFFF58];
	_ =	sdelay $0x4  }
0x63: {  	[tilespmem:s16+$0xFFFFFF6A] =	vst v0  }
0x64: {  	v0 =	vld [tilespmem:s19+$0xFFFFFF68];
	_ =	sdelay $0x4  }
0x65: {  	[tilespmem:s16+$0xFFFFFF7A] =	vst v0  }
0x66: {  	v0 =	vld [tilespmem:s19+$0xFFFFFF78];
	_ =	sdelay $0x4  }
0x67: {  	[tilespmem:s16+$0xFFFFFF8A] =	vst v0  }
0x68: {  	v0 =	vld [tilespmem:s19+$0xFFFFFF7A];
	_ =	sdelay $0x4  }
0x69: {  	[tilespmem:s16+$0xFFFFFF8C] =	vst v0  }
0x6a: {  	v0 =	vld [tilespmem:s19+$0xFFFFFF90];
	_ =	sdelay $0x4  }
0x6b: {  	[tilespmem:s16+$0xFFFFFF9C] =	vst v0  }
0x6c: {  	v0 =	vld [tilespmem:s19+$0xFFFFFFA0];
	_ =	sdelay $0x4  }
0x6d: {  	[tilespmem:s16+$0xFFFFFFAC] =	vst v0  }
0x6e: {  	v0 =	vld [tilespmem:s19+$0xFFFFFFB0];
	_ =	sdelay $0x4  }
0x6f: {  	[tilespmem:s16+$0xFFFFFFBC] =	vst v0  }
0x70: {  	v0 =	vld [tilespmem:s19+$0xFFFFFFB2];
	_ =	sdelay $0x4  }
0x71: {  	[tilespmem:s16+$0xFFFFFFBE] =	vst v0  }
0x72: {  	v0 =	vld [tilespmem:s19+$0xFFFFFFC8];
	_ =	sdelay $0x4  }
0x73: {  	[tilespmem:s16+$0xFFFFFFCE] =	vst v0  }
0x74: {  	v0 =	vld [tilespmem:s19+$0xFFFFFFD8];
	_ =	sdelay $0x4  }
0x75: {  	[tilespmem:s16+$0xFFFFFFDE] =	vst v0  }
0x76: {  	v0 =	vld [tilespmem:s19+$0xFFFFFFE8];
	_ =	sdelay $0x4  }
0x77: {  	[tilespmem:s16+$0xFFFFFFEE] =	vst v0  }
0x78: {  	v0 =	vld [tilespmem:s19+$0xFFFFFFEA];
	_ =	sdelay $0x4  }
0x79: {  	[tilespmem:s16+$0xFFFFFFF0] =	vst v0  }
0x7a: {  	v0 =	vld [tilespmem:s19+$0x0];
	_ =	sdelay $0x4  }
0x7b: {  	[tilespmem:s16+$0x0] =	vst v0  }
0x7c: {  	v0 =	vld [tilespmem:s19+$0x10];
	_ =	sdelay $0x4  }
0x7d: {  	[tilespmem:s16+$0x10] =	vst v0  }
0x7e: {  	v0 =	vld [tilespmem:s19+$0x20];
	_ =	sdelay $0x4  }
0x7f: {  	[tilespmem:s16+$0x20] =	vst v0  }
0x80: {  	v0 =	vld [tilespmem:s19+$0x22];
	_ =	sdelay $0x4  }
0x81: {  	[tilespmem:s16+$0x22] =	vst v0  }
0x82: {  	v0 =	vld [tilespmem:s19+$0x38];
	_ =	sdelay $0x4  }
0x83: {  	[tilespmem:s16+$0x32] =	vst v0  }
0x84: {  	v0 =	vld [tilespmem:s19+$0x48];
	_ =	sdelay $0x4  }
0x85: {  	[tilespmem:s16+$0x42] =	vst v0  }
0x86: {  	v0 =	vld [tilespmem:s19+$0x58];
	_ =	sdelay $0x4  }
0x87: {  	[tilespmem:s16+$0x52] =	vst v0  }
0x88: {  	v0 =	vld [tilespmem:s19+$0x5A];
	_ =	sdelay $0x4  }
0x89: {  	[tilespmem:s16+$0x54] =	vst v0  }
0x8a: {  	v0 =	vld [tilespmem:s19+$0x70];
	_ =	sdelay $0x4  }
0x8b: {  	[tilespmem:s16+$0x64] =	vst v0  }
0x8c: {  	v0 =	vld [tilespmem:s19+$0x80];
	_ =	sdelay $0x4  }
0x8d: {  	[tilespmem:s16+$0x74] =	vst v0  }
0x8e: {  	v0 =	vld [tilespmem:s19+$0x90];
	_ =	sdelay $0x4  }
0x8f: {  	[tilespmem:s16+$0x84] =	vst v0  }
0x90: {  	v0 =	vld [tilespmem:s19+$0x92];
	_ =	sdelay $0x4  }
0x91: {  	[tilespmem:s16+$0x86] =	vst v0  }
0x92: {  	v0 =	vld [tilespmem:s19+$0xA8];
	_ =	sdelay $0x4  }
0x93: {  	[tilespmem:s16+$0x96] =	vst v0  }
0x94: {  	v0 =	vld [tilespmem:s19+$0xB8];
	_ =	sdelay $0x4  }
0x95: {  	[tilespmem:s16+$0xA6] =	vst v0  }
0x96: {  	v0 =	vld [tilespmem:s19+$0xC8];
	_ =	sdelay $0x4  }
0x97: {  	[tilespmem:s16+$0xB6] =	vst v0  }
0x98: {  	v0 =	vld [tilespmem:s19+$0xCA]  }
.Ltmp0:
0x99: {  	(pc) =	sbr.rel @p0 .LBB2_2-.Ltmp0, $2  }
0x9a: {  	_ =	sdelay $0x2  }
0x9b: {  	s19 =	sadd.s32 $0x1C0, s19;
	[tilespmem:s16+$0xB8] =	vst v0  }
0x9c: {  	s16 =	simm.s32 $0xD400;
	s0 =	simm.s32 $0x7000  }
0x9d: {  	[tilespmem:s16], [sflag:$0x1] =	stream.indirect.gather [hbm4b:s4+s15], $0x80, s0, s15, $0xb8;
	[tilespmem:$0x1D400] =	vst v63  }
0x9e: {  	s17 =	simm.s32 $0x7080  }
0x9f: {  	[tilespmem:s18], [sflag:$0x2] =	stream.indirect.gather [hbm4b:s4+s15], $0x80, s17, s15, $0xb8;
	[tilespmem:$0x1D400] =	vst v63  }
0xa0: {  	s19 =	simm.s32 $0x7100  }
0xa1: {  	[tilespmem:s20], [sflag:$0x3] =	stream.indirect.gather [hbm4b:s4+s15], $0x80, s19, s15, $0xb8;
	[tilespmem:$0x1D400] =	vst v63  }
0xa2: {  	s21 =	simm.s32 $0x7180  }
0xa3: {  	[tilespmem:s22], [sflag:$0x4] =	stream.indirect.gather [hbm4b:s4+s15], $0x80, s21, s15, $0xb8;
	[tilespmem:$0x1D400] =	vst v63  }
0xa4: {  	_ =	swait.ge [sflag:s23], $0x4000  }
0xa5: {  	s6 =	simm.s32 $0x10;
	[sflag:s23] =	ssyncset.done $0x0  }
0xa6: {  	s14 =	sadd.s32 $0x0, s7;
	s13 =	simm.s32 $0xD480;
	[sflag:s23] =	ssyncadd.s32 $0xFFFFC000  }
.LBB2_4:
0xa7: {  	[hbm4b:s14+s2] =	stream.linear.scatter [tilespmem:s16], [sflag:$0x5], $0x40, $0x38;
	[tilespmem:$0x1D400] =	vst v63  }
0xa8: {  	s0 =	smov.u32 s6;
	s16 =	smov.u32 s13;
	p0 =	sne.s32 s6, $0x7F0  }
.Ltmp1:
0xa9: {  	s6 =	sadd.s32 $0x10, s6;
	(pc) =	sbr.rel @p0 .LBB2_4-.Ltmp1, $2  }
0xaa: {  	_ =	sdelay $0x2  }
0xab: {  	s13 =	sadd.s32 $0x80, s13;
	s14 =	sadd.s32 s0, s7  }
0xac: {  	[hbm4b:s14+s2] =	stream.linear.scatter [tilespmem:s16], [sflag:$0x5], $0x40, $0x38;
	[tilespmem:$0x1D400] =	vst v63  }
0xad: {  	s16 =	simm.s32 $0x0;
	_ =	swait.ge [sflag:s24], $0x4000  }
0xae: {  	s17 =	simm.s32 $0x11400;
	s6 =	simm.s32 $0x10;
	[sflag:s24] =	ssyncset.done $0x0  }
0xaf: {  	s14 =	sadd.s32 $0x0, s9;
	s13 =	simm.s32 $0x11480;
	[sflag:s24] =	ssyncadd.s32 $0xFFFFC000  }
.LBB2_6:
0xb0: {  	[hbm4b:s14+s16] =	stream.linear.scatter [tilespmem:s17], [sflag:$0x6], $0x40, $0x38;
	[tilespmem:$0x1D400] =	vst v63  }
0xb1: {  	s0 =	smov.u32 s6;
	s17 =	smov.u32 s13;
	p0 =	seq.s32 s6, $0x7F0  }
.Ltmp2:
0xb2: {  	s6 =	sadd.s32 $0x10, s6;
	(pc) =	sbr.rel @!p0 .LBB2_6-.Ltmp2, $2  }
0xb3: {  	_ =	sdelay $0x2  }
0xb4: {  	s13 =	sadd.s32 $0x80, s13;
	s14 =	sadd.s32 s0, s9  }
0xb5: {  	[hbm4b:s14+s16] =	stream.linear.scatter [tilespmem:s17], [sflag:$0x6], $0x40, $0x38;
	[tilespmem:$0x1D400] =	vst v63  }
.LBB2_9:
0xb6: {  	s16 =	sadd.s32 $0x1, s16;
	_ =	swait.ge [sflag:s25], $0x2000  }
0xb7: {  	[sflag:s25] =	ssyncset.done $0x0;
	s17 =	sshll.u32 s16, $0x9  }
0xb8: {  	[sflag:s25] =	ssyncadd.s32 $0xFFFFE000;
	s0 =	sadd.s32 $0x7000, s17;
	s21 =	sadd.s32 s17, s8  }
0xb9: {  	[tilespmem:s26], [sflag:$0x1] =	stream.indirect.gather [hbm4b:s4+s15], $0x80, s0, s15, $0xb8;
	[tilespmem:$0x1D400] =	vst v63  }
0xba: {  	s0 =	sshll.u32 s21, $0x4  }
0xbb: {  	s6 =	simm.s32 $0x10;
	_ =	swait.ge [sflag:s28], $0x4000;
	s0 =	sand.u32 $0x1FFFF000, s0  }
0xbc: {  	s13 =	simm.s32 $0x15480;
	[sflag:s28] =	ssyncset.done $0x0;
	s19 =	sadd.s32 s5, s0  }
0xbd: {  	s21 =	simm.s32 $0x15400;
	[sflag:s28] =	ssyncadd.s32 $0xFFFFC000;
	s14 =	sadd.s32 $0x0, s19  }
.LBB2_10:
0xbe: {  	[hbm4b:s14+s2] =	stream.linear.scatter [tilespmem:s21], [sflag:$0x7], $0x40, $0x38;
	[tilespmem:$0x1D400] =	vst v63  }
0xbf: {  	s0 =	smov.u32 s6;
	s21 =	smov.u32 s13;
	p0 =	sne.s32 s6, $0x7F0  }
.Ltmp3:
0xc0: {  	s6 =	sadd.s32 $0x10, s6;
	(pc) =	sbr.rel @p0 .LBB2_10-.Ltmp3, $2  }
0xc1: {  	_ =	sdelay $0x2  }
0xc2: {  	s13 =	sadd.s32 $0x80, s13;
	s14 =	sadd.s32 s0, s19  }
0xc3: {  	[hbm4b:s14+s2] =	stream.linear.scatter [tilespmem:s21], [sflag:$0x7], $0x40, $0x38;
	[tilespmem:$0x1D400] =	vst v63  }
0xc4: {  	_ =	swait.ge [sflag:s29], $0x2000  }
0xc5: {  	[sflag:s29] =	ssyncset.done $0x0  }
0xc6: {  	s0 =	sadd.s32 $0x7080, s17;
	s21 =	sadd.s32 s17, s10;
	[sflag:s29] =	ssyncadd.s32 $0xFFFFE000  }
0xc7: {  	[tilespmem:s18], [sflag:$0x2] =	stream.indirect.gather [hbm4b:s4+s15], $0x80, s0, s15, $0xb8;
	[tilespmem:$0x1D400] =	vst v63  }
0xc8: {  	s19 =	sor.u32 $0x80, s17;
	s0 =	sshll.u32 s21, $0x4  }
0xc9: {  	s6 =	simm.s32 $0x19400;
	_ =	swait.ge [sflag:s30], $0x4000;
	s0 =	sand.u32 $0x1FFFF800, s0  }
0xca: {  	s13 =	simm.s32 $0x10;
	[sflag:s30] =	ssyncset.done $0x0;
	s21 =	sadd.s32 s5, s0  }
0xcb: {  	s14 =	simm.s32 $0x19480;
	[sflag:s30] =	ssyncadd.s32 $0xFFFFC000;
	s0 =	sadd.s32 $0x0, s21  }
.LBB2_12:
0xcc: {  	[hbm4b:s0+s2] =	stream.linear.scatter [tilespmem:s6], [sflag:$0x8], $0x40, $0x38;
	[tilespmem:$0x1D400] =	vst v63  }
0xcd: {  	s0 =	smov.u32 s13;
	s6 =	smov.u32 s14;
	p0 =	sne.s32 s13, $0x7F0  }
.Ltmp4:
0xce: {  	s13 =	sadd.s32 $0x10, s13;
	(pc) =	sbr.rel @p0 .LBB2_12-.Ltmp4, $2  }
0xcf: {  	_ =	sdelay $0x2  }
0xd0: {  	s14 =	sadd.s32 $0x80, s14;
	s0 =	sadd.s32 s0, s21  }
0xd1: {  	[hbm4b:s0+s2] =	stream.linear.scatter [tilespmem:s6], [sflag:$0x8], $0x40, $0x38;
	[tilespmem:$0x1D400] =	vst v63  }
0xd2: {  	_ =	swait.ge [sflag:s31], $0x2000  }
0xd3: {  	s21 =	sand.u32 $0x3FFFFE00, s17;
	s17 =	sadd.s32 s3, s17;
	[sflag:s31] =	ssyncset.done $0x0  }
0xd4: {  	s14 =	sadd.s32 $0x7100, s21;
	s0 =	sshll.u32 s17, $0x4;
	[sflag:s31] =	ssyncadd.s32 $0xFFFFE000  }
0xd5: {  	[tilespmem:s20], [sflag:$0x3] =	stream.indirect.gather [hbm4b:s4+s15], $0x80, s14, s15, $0xb8;
	[tilespmem:$0x1D400] =	vst v63  }
0xd6: {  	s6 =	simm.s32 $0xD400;
	s0 =	sand.u32 $0x1FFFE000, s0;
	_ =	swait.ge [sflag:s23], $0x4000  }
0xd7: {  	s13 =	simm.s32 $0x10;
	s17 =	sadd.s32 s5, s0;
	[sflag:s23] =	ssyncset.done $0x0  }
0xd8: {  	s0 =	sadd.s32 $0x0, s17;
	s14 =	simm.s32 $0xD480;
	[sflag:s23] =	ssyncadd.s32 $0xFFFFC000  }
.LBB2_14:
0xd9: {  	[hbm4b:s0+s2] =	stream.linear.scatter [tilespmem:s6], [sflag:$0x5], $0x40, $0x38;
	[tilespmem:$0x1D400] =	vst v63  }
0xda: {  	s0 =	smov.u32 s13;
	s6 =	smov.u32 s14;
	p0 =	sne.s32 s13, $0x7F0  }
.Ltmp5:
0xdb: {  	s13 =	sadd.s32 $0x10, s13;
	(pc) =	sbr.rel @p0 .LBB2_14-.Ltmp5, $2  }
0xdc: {  	_ =	sdelay $0x2  }
0xdd: {  	s14 =	sadd.s32 $0x80, s14;
	s0 =	sadd.s32 s0, s17  }
0xde: {  	[hbm4b:s0+s2] =	stream.linear.scatter [tilespmem:s6], [sflag:$0x5], $0x40, $0x38;
	[tilespmem:$0x1D400] =	vst v63  }
0xdf: {  	_ =	swait.ge [sflag:s1], $0x2000  }
0xe0: {  	s17 =	sadd.s32 $0x7180, s21;
	s21 =	sadd.s32 s3, s19;
	[sflag:s1] =	ssyncset.done $0x0  }
0xe1: {  	s0 =	sshll.u32 s21, $0x4;
	[sflag:s1] =	ssyncadd.s32 $0xFFFFE000  }
0xe2: {  	[tilespmem:s22], [sflag:$0x4] =	stream.indirect.gather [hbm4b:s4+s15], $0x80, s17, s15, $0xb8;
	[tilespmem:$0x1D400] =	vst v63  }
0xe3: {  	s6 =	simm.s32 $0x11400;
	s0 =	sand.u32 $0x1FFFE800, s0;
	_ =	swait.ge [sflag:s24], $0x4000  }
0xe4: {  	s13 =	simm.s32 $0x10;
	s17 =	sadd.s32 s5, s0;
	[sflag:s24] =	ssyncset.done $0x0  }
0xe5: {  	s14 =	simm.s32 $0x11480;
	s0 =	sadd.s32 $0x0, s17;
	[sflag:s24] =	ssyncadd.s32 $0xFFFFC000  }
.LBB2_16:
0xe6: {  	[hbm4b:s0+s2] =	stream.linear.scatter [tilespmem:s6], [sflag:$0x6], $0x40, $0x38;
	[tilespmem:$0x1D400] =	vst v63  }
0xe7: {  	s0 =	smov.u32 s13;
	s6 =	smov.u32 s14;
	p0 =	seq.s32 s13, $0x7F0  }
.Ltmp6:
0xe8: {  	s13 =	sadd.s32 $0x10, s13;
	(pc) =	sbr.rel @!p0 .LBB2_16-.Ltmp6, $2  }
0xe9: {  	_ =	sdelay $0x2  }
0xea: {  	s14 =	sadd.s32 $0x80, s14;
	s0 =	sadd.s32 s0, s17  }
0xeb: {  	[hbm4b:s0+s2] =	stream.linear.scatter [tilespmem:s6], [sflag:$0x6], $0x40, $0x38;
	[tilespmem:$0x1D400] =	vst v63  }
0xec: {  	p0 =	seq.s32 s16, $0x31  }
.Ltmp7:
0xed: {  	_ = 	snop;
	(pc) =	sbr.rel @!p0 .LBB2_9-.Ltmp7, $1  }
0xee: {  	_ =	sdelay $0x3  }
0xef: {  	_ =	swait.ge [sflag:s28], $0x4000  }
0xf0: {  	s6 =	simm.s32 $0x15400;
	s13 =	simm.s32 $0x10;
	[sflag:s28] =	ssyncset.done $0x0  }
0xf1: {  	s0 =	sadd.s32 $0x0, s11;
	s14 =	simm.s32 $0x15480;
	[sflag:s28] =	ssyncadd.s32 $0xFFFFC000  }
.LBB2_19:
0xf2: {  	[hbm4b:s0+s2] =	stream.linear.scatter [tilespmem:s6], [sflag:$0x7], $0x40, $0x38;
	[tilespmem:$0x1D400] =	vst v63  }
0xf3: {  	s0 =	smov.u32 s13;
	s6 =	smov.u32 s14;
	p0 =	sne.s32 s13, $0x7F0  }
.Ltmp8:
0xf4: {  	s13 =	sadd.s32 $0x10, s13;
	(pc) =	sbr.rel @p0 .LBB2_19-.Ltmp8, $2  }
0xf5: {  	_ =	sdelay $0x2  }
0xf6: {  	s14 =	sadd.s32 $0x80, s14;
	s0 =	sadd.s32 s0, s11  }
0xf7: {  	[hbm4b:s0+s2] =	stream.linear.scatter [tilespmem:s6], [sflag:$0x7], $0x40, $0x38;
	[tilespmem:$0x1D400] =	vst v63  }
0xf8: {  	_ =	swait.ge [sflag:s30], $0x4000  }
0xf9: {  	s6 =	simm.s32 $0x19400;
	s13 =	simm.s32 $0x10;
	[sflag:s30] =	ssyncset.done $0x0  }
0xfa: {  	s0 =	sadd.s32 $0x0, s12;
	s14 =	simm.s32 $0x19480;
	[sflag:s30] =	ssyncadd.s32 $0xFFFFC000  }
.LBB2_21:
0xfb: {  	[hbm4b:s0+s2] =	stream.linear.scatter [tilespmem:s6], [sflag:$0x8], $0x40, $0x38;
	[tilespmem:$0x1D400] =	vst v63  }
0xfc: {  	s0 =	smov.u32 s13;
	s6 =	smov.u32 s14;
	p0 =	sne.s32 s13, $0x7F0  }
.Ltmp9:
0xfd: {  	s13 =	sadd.s32 $0x10, s13;
	(pc) =	sbr.rel @p0 .LBB2_21-.Ltmp9, $2  }
0xfe: {  	_ =	sdelay $0x2  }
0xff: {  	s14 =	sadd.s32 $0x80, s14;
	s0 =	sadd.s32 s0, s12  }
0x100: {  	[hbm4b:s0+s2] =	stream.linear.scatter [tilespmem:s6], [sflag:$0x8], $0x40, $0x38;
	[tilespmem:$0x1D400] =	vst v63  }
0x101: {  	_ =	swait.ge [sflag:s25], $0x2000  }
0x102: {  	[sflag:s25] =	ssyncset.done $0x0  }
0x103: {  	[sflag:s25] =	ssyncadd.s32 $0xFFFFE000  }
0x104: {  	_ =	swait.ge [sflag:s29], $0x2000  }
0x105: {  	[sflag:s29] =	ssyncset.done $0x0  }
0x106: {  	[sflag:s29] =	ssyncadd.s32 $0xFFFFE000  }
0x107: {  	_ =	swait.ge [sflag:s31], $0x2000  }
0x108: {  	[sflag:s31] =	ssyncset.done $0x0  }
0x109: {  	[sflag:s31] =	ssyncadd.s32 $0xFFFFE000  }
0x10a: {  	_ =	swait.ge [sflag:s1], $0x2000  }
0x10b: {  	s19 =	rddreg [dreg:$0x5]  }
0x10c: {  	s21 =	rddreg [dreg:$0x4];
	s6 =	sadd.s32 $0x1, s19  }
0x10d: {  	p0 =	sne.s32 s6, s21  }
.Ltmp10:
0x10e: {  	_ = 	snop;
	(pc) =	sbr.rel @p0 .LBB2_1-.Ltmp10, $3  }
0x10f: {  	_ =	sdelay $0x1  }
0x110: {  	[sflag:s1] =	ssyncset.done $0x0  }
0x111: {  	[sflag:s1] =	ssyncadd.s32 $0xFFFFE000  }
0x112: {  	_ =	sfence.sel $0x180000  }
0x113: {  	[bflag:$0x0] =	sbarrier.arrive $0xFFFF  }
0x114: {  	_ =	strace $0x90000047  }
0x115: {  	s0 =	stileid.u32;
	[bflag:$0x2] =	sbarrier.arrive $0xFFFF  }
0x116: {  	p0 =	sne.s32 s0, $0x0;
	s0 =	rddreg [dreg:$0x2]  }
0x117: {  	s0 =	sadd.s32 @!p0 $0x100000, s0  }
0x118: {  	[sflag:s0] =	ssyncadd.tile.s32 @!p0 $0x1;
	_ =	shalt  }
.Lfunc_end2:
_tile_overlayer_lowered:
.L_overlay_start_2:
0x119: {  	(tag) =	ssettag $0x2  }
0x11a: {  	s0 =	rddreg [dreg:$0x0];
	s2 =	stileid.u32  }
0x11b: {  	s1 =	rddreg [dreg:$0x1];
	p0 =	sne.s32 s2, $0x0  }
0x11c: {  	s3 =	rddreg [dreg:$0x2];
	[bflag:$0x3] =	sbarrier.arrive $0xFFFF;
	s2 =	simm.s32 @!p0 $0x1C09  }
0x11d: {  	[timem:s3], [sflag:s2] =	dma.local @!p0 [hbm:s0], s1  }
0x11e: {  	s0 =	simm.s32 @!p0 $0x9  }
0x11f: {  	_ =	swait.ge @!p0 [sflag:s0], s1  }
0x120: {  	s1 =	ssub.s32 @!p0 $0x0, s1;
	[sflag:s0] =	ssyncset.done @!p0 $0x0  }
0x121: {  	[sflag:s0] =	ssyncadd.s32 @!p0 s1  }
0x122: {  	[bflag:$0x3] =	sbarrier.arrive $0xFFFF  }
0x123: {  	_ =	shalt  }

// kernel: sparse-core-data-format-call.cloned.1.call-start
scs
called_computation_lowered:
.L_overlay_start_0:
0x0: {  	s2 =	sld [smem:$0x3FD9]  }
0x1: {  	s3 =	sld [smem:$0x3FFE];
	_ =	sdelay $0x1  }
0x2: {  	s1 =	srdreg.scid  }
0x3: {  	s0 =	sand.u32 $0x1, s1  }
0x4: {  	s18 =	sshll.u32 s0, $0xA;
	s2 =	sadd.s32 s3, s2  }
0x5: {  	s2 =	sadd.s32 s2, s18  }
0x6: {  	[smem:$0x3FC6] =	sst s2  }
0x7: {  	_ = 	snop  }
0x8: {  	s2 =	sld [smem:$0x3FD0];
	(tm) =	ssettm $0x1  }
0x9: {  	s19 =	sld [smem:$0x3FFB];
	_ =	sdelay $0x3  }
0xa: {  	_ =	strace s19  }
0xb: {  	s3 =	sld [smem:$0x3FFC];
	_ =	sdelay $0x3  }
0xc: {  	_ =	strace s3  }
0xd: {  	s3 =	sld [smem:$0x3FFD];
	_ =	sdelay $0x3  }
0xe: {  	_ =	strace s3  }
0xf: {  	_ =	strace $0x8FFFFFFF  }
0x10: {  	s20 =	sld [smem:$0x3FDB];
	_ =	sdelay $0x1  }
0x11: {  	s4 =	simm.s32 $_scs_section_size  }
0x12: {  	s5 =	simm.s32 $_size__tile_overlayer_lowered;
	s6 =	simm.s32 $_tile_overlayer_lowered  }
0x13: {  	s23 =	simm.s32 $0x1BFF;
	s22 =	sshll.u32 s6, $0x1;
	s3 =	sadd.s32 s4, s20  }
0x14: {  	s7 =	simm.s32 $0x0;
	s21 =	sshll.u32 s5, $0x1;
	s5 =	sadd.s32 s22, s3  }
0x15: {  	[timem:s7], [sflag:s23] =	dma.local [hbm:s5], s21  }
0x16: {  	_ =	swait.ge [sflag:s23], s21  }
0x17: {  	s4 =	ssub.s32 $0x0, s21;
	[sflag:s23] =	ssyncset.done $0x0  }
0x18: {  	[sflag:s23] =	ssyncadd.s32 s4;
	_ =	sdelay $0x1  }
0x19: {  	s24 =	simm.s32 $0x1B8B  }
0x1a: {  	_ =	swait.ge [sflag:s24], $0x1  }
0x1b: {  	[sflag:s24] =	ssyncset.done $0x0  }
0x1c: {  	s26 =	simm.s32 $0x1B8E;
	s25 =	sld [smem:$0x3FFE];
	[sflag:s24] =	ssyncadd.s32 $0xFFFFFFFF  }
0x1d: {  	s27 =	simm.s32 $execute0_lowered;
	[smem:$0x3FD2] =	sst s26  }
0x1e: {  	s5 =	sshll.u32 s27, $0x1;
	_ =	strace $0x80000049;
	[dreg:$0x1] =	wrdreg $0xFFFFFFFF  }
0x1f: {  	s28 =	simm.s32 $_size_execute0_lowered;
	s3 =	sadd.s32 s3, s5;
	[dreg:$0x0] =	wrdreg $0x0  }
0x20: {  	s5 =	sshll.u32 s28, $0x1;
	[dreg:$0x2] =	wrdreg s3  }
0x21: {  	[dreg:$0x3] =	wrdreg s5  }
0x22: {  	[dreg:$0x4] =	wrdreg $0xC0  }
0x23: {  	_ =	task [dreg:s7], $0x5FFFF  }
0x24: {  	[dreg:$0x1] =	wrdreg $0xFFFFFFFF  }
0x25: {  	[dreg:$0x0] =	wrdreg $0x60  }
0x26: {  	[dreg:$0x2] =	wrdreg s25  }
0x27: {  	[dreg:$0x3] =	wrdreg s2  }
0x28: {  	[dreg:$0x4] =	wrdreg $0x9  }
0x29: {  	_ =	task.clear_ibuf [dreg:s7], $0x5FFFF;
	_ =	strace $0x90000049  }
0x2a: {  	s29 =	simm.s32 $0x9;
	_ =	strace $0x8000004B  }
0x2b: {  	_ =	swait.ge [sflag:s29], $0x1  }
0x2c: {  	[sflag:s29] =	ssyncadd.s32 $0xFFFFFFFF  }
0x2d: {  	_ =	strace $0x9000004B  }
0x2e: {  	_ =	sfence  }
0x2f: {  	s30 =	sld [smem:$0x0];
	_ =	sdelay $0x2  }
0x30: {  	s31 =	sshll.u32 s1, $0xD;
	s1 =	sshrl.u32 s1, $0x2  }
0x31: {  	s3 =	sand.u32 $0x4000, s31;
	s1 =	sadd.s32 s1, s30  }
0x32: {  	s0 =	sor.u32 s3, s0;
	s1 =	sshll.u32 s1, $0x11  }
0x33: {  	s0 =	sor.u32 s1, s0  }
0x34: {  	s0 =	sadd.s32 $0x8F2B, s0  }
0x35: {  	[sflag:s0] =	ssyncadd.remote.s32 $0x1  }
0x36: {  	_ =	sfence.sel $0xFFFF  }
0x37: {  	[dreg:$0x0] =	wrdreg $0xFFFFFFFF;
	(pc) =	sbr.abs _section_cstart, $3  }
0x38: {  	[dreg:$0x1] =	wrdreg $0xFFFFFFFF  }
0x39: {  	_ =	task.clear_ibuf [dreg:s7], $0x2FFFF;
	_ =	strace $0x9FFFFFFF  }
0x3a: {  	(tm) =	ssettm $0x7FFFFFFF  }
0x3b: {  	_ =	shalt  }
tec
execute0_lowered:
.L_overlay_start_1:
0x0: {  	(tag) =	ssettag $0x1  }
0x1: {  	s0 =	srdreg.scid  }
0x2: {  	s1 =	sshll.u32 s0, $0x4  }
0x3: {  	s4 =	rddreg [dreg:$0x0];
	s0 =	stileid.u32;
	s1 =	sand.u32 $0x10, s1  }
0x4: {  	s2 =	rddreg [dreg:$0x1];
	s7 =	simm.s32 $0x1;
	s1 =	sor.u32 s0, s1  }
0x5: {  	s8 =	simm.s32 $0x2;
	s11 =	simm.s32 $0x0;
	s3 =	sshll.u32 s1, $0x7  }
0x6: {  	s10 =	simm.s32 $0x0;
	s4 =	sadd.s32 $0xA00, s4;
	s6 =	ssub.s32 $0xC8000, s3  }
.Ltmp0:
0x7: {  	s1 =	rddreg [dreg:$0x2];
	s5 =	sand.u32 $0xF80, s6;
	(pc) =	sbr.rel .LBB1_1-.Ltmp0, $4  }
0x8: {  	_ =	strace $0x8000004A;
	s9 =	smov.u32 s3;
	p0 =	sne.s32 s5, $0x0  }
0x9: {  	s6 =	sshrl.u32 s6, $0xC;
	s5 =	simm.s32 $0x1;
	s7 =	simm.s32 @!p0 $0x0  }
0xa: {  	[sflag:s5] =	ssyncpa.u1 $0x0;
	p0 =	por $0x0, $0x0;
	s6 =	sadd.s32 s7, s6  }
0xb: {  	[sflag:s8] =	ssyncpa.u1 $0x0;
	s8 =	simm.s32 $0x640000;
	s7 =	sadd.s32 $0x1, s6  }
.LBB1_4:
0xc: {  	s14 =	sshll.u32 s11, $0x3  }
0xd: {  	s30 =	sand.u32 $0x7F, s11;
	s15 =	sand.u32 $0xFFFFFC00, s14  }
0xe: {  	s11 =	sor.u32 s30, s15  }
0xf: {  	s15 =	smulhi.u32 $0x51EB851F, s11  }
0x10: {  	s14 =	smulhi.u32 $0x51EB851F, s14  }
0x11: {  	s15 =	sshrl.u32 s15, $0x12  }
0x12: {  	s14 =	sshrl.u32 s14, $0x12;
	s15 =	smul.u32 $0xC8000, s15  }
0x13: {  	s14 =	sand.u32 $0x3F, s14  }
0x14: {  	s14 =	smul.u32 $0x19000, s14;
	s11 =	ssub.s32 s11, s15  }
0x15: {  	[tilespmem:s13+$0x810 ss:$0x81] =	vst.msk $0xffff, v2;
	s15 =	sand.u32 $0x7, s11  }
0x16: {  	[tilespmem:s13+$0x1020 ss:$0x81] =	vst.msk $0xffff, v0;
	s14 =	sadd.s32 s2, s14;
	s11 =	sshrl.u32 s11, $0x3;
	s15 =	sshll.u32 s15, $0x12  }
0x17: {  	[tilespmem:s13+$0x0 ss:$0x81] =	vst.msk $0xffff, v1;
	s11 =	sadd.s32 s11, s14;
	s31 =	sor.u32 $0x400, s15  }
0x18: {  	[hbm4b:s11+s31] =	stream.strided.scatter [tilespmem:s12], [sflag:$0x2], $0x2000, s8, s31, $0x20;
	[tilespmem:$0x8080] =	vst v63  }
.LBB1_5:
0x19: {  	s13 =	sadd.s32 $0x1000, s9  }
0x1a: {  	p2 =	sgt.s32 s13, $0xC7FFF  }
0x1b: {  	s13 =	smov.u32 @p2 s3;
	p2 =	sne.s32 s10, s7  }
.Ltmp1:
0x1c: {  	p1 =	slt.u32 s10, $0x2;
	(pc) =	sbr.rel @!p2 .LBB1_6-.Ltmp1, $4  }
0x1d: {  	s12 =	simm.s32 @!p1 $0x2  }
0x1e: {  	s14 =	sadd.s32 $0x1, s10;
	_ =	swait.ge @!p1 [sflag:s12], $0x2000  }
0x1f: {  	s11 =	smov.u32 s9;
	p0 =	por !p0, !p0;
	[sflag:s12] =	ssyncset.done @!p1 $0x0  }
0x20: {  	s10 =	smov.u32 s14;
	s9 =	smov.u32 s13;
	[sflag:s12] =	ssyncadd.s32 @!p1 $0xFFFFE000  }
.LBB1_1:
0x21: {  	p1 =	sge.u32 s10, s6  }
0x22: {  	s12 =	sand.u32 @!p1 $0x1FFFFFF, s9  }
0x23: {  	s13 =	smulhi.u32 @!p1 $0x147AE15, s12;
	_ =	sdelay $0x1  }
0x24: {  	s13 =	sshrl.u32 @!p1 s13, $0xC  }
0x25: {  	s13 =	smul.u32 @!p1 $0xC8000, s13;
	_ =	sdelay $0x1  }
0x26: {  	s31 =	sadd.s32 $0xFFFFFFFF, s10;
	s14 =	sxor.u32 @!p1 $0xFFFFFFFF, s10;
	s12 =	ssub.s32 @!p1 s12, s13  }
0x27: {  	s15 =	simm.s32 @!p1 $0x80;
	s14 =	sshll.u32 @!p1 s14, $0xD;
	s12 =	sshll.u32 @!p1 s12, $0x4  }
0x28: {  	s13 =	sand.u32 @!p1 $0x2000, s14;
	s14 =	simm.s32 @!p1 $0x40;
	s12 =	sadd.s32 @!p1 s4, s12  }
0x29: {  	[tilespmem:s13], [sflag:$0x1] =	stream.strided.gather @!p1 [hbm4b:s12+s14], $0x2000, s15, s14, $0x38;
	[tilespmem:$0x8080] =	vst v63  }
0x2a: {  	p1 =	sge.u32 s31, s6  }
.Ltmp2:
0x2b: {  	_ = 	snop;
	(pc) =	sbr.rel @p1 .LBB1_5-.Ltmp2, $1  }
0x2c: {  	_ =	sdelay $0x3  }
0x2d: {  	s12 =	simm.s32 $0x1  }
0x2e: {  	_ =	swait.ge [sflag:s5], $0x2000;
	s12 =	simm.s32 @!p0 $0x0  }
0x2f: {  	[sflag:s5] =	ssyncset.done $0x0;
	s13 =	sshll.u32 s12, $0xD  }
0x30: {  	[sflag:s5] =	ssyncadd.s32 $0xFFFFE000;
	s16 =	sor.u32 $0x20, s13  }
0x31: {  	s12 =	smul.u32 $0x8100, s12;
	v3 =	vld [tilespmem:s16+$0x10]  }
0x32: {  	s30 =	sand.u32 $0x1, s10;
	v2 =	vld [tilespmem:s16+$0xFFFFFFF0]  }
0x33: {  	s13 =	smul.u32 $0x8100, s30;
	s12 =	sshrl.u32 s12, $0x2;
	v0 =	vld [tilespmem:s16+$0x0]  }
0x34: {  	v1 =	vld [tilespmem:s16+$0xFFFFFFE0];
	s14 =	sor.u32 $0x4000, s12  }
0x35: {  	s31 =	sshrl.u32 s13, $0x2;
	s13 =	sadd.s32 $0x0, s14  }
0x36: {  	s15 =	simm.s32 $0x4;
	s16 =	sadd.s32 $0x40, s16;
	s12 =	sor.u32 $0x4000, s31;
	[tilespmem:s13+$0x1830 ss:$0x81] =	vst.msk $0xffff, v3  }
.LBB1_3:
0x37: {  	v3 =	vld [tilespmem:s16+$0x10];
	p1 =	sne.s32 s15, $0x1FC;
	[tilespmem:s13+$0x810 ss:$0x81] =	vst.msk $0xffff, v2;
	s17 =	smov.u32 s15;
	s15 =	sadd.s32 $0x4, s15  }
.Ltmp3:
0x38: {  	v2 =	vld [tilespmem:s16+$0xFFFFFFF0];
	[tilespmem:s13+$0x1020 ss:$0x81] =	vst.msk $0xffff, v0;
	(pc) =	sbr.rel @p1 .LBB1_3-.Ltmp3, $4  }
0x39: {  	v0 =	vld [tilespmem:s16+$0x0];
	[tilespmem:s13+$0x0 ss:$0x81] =	vst.msk $0xffff, v1  }
0x3a: {  	s13 =	sshra.s32 s17, $0x2;
	v1 =	vld [tilespmem:s16+$0xFFFFFFE0]  }
0x3b: {  	s13 =	sadd.s32 s13, s14  }
0x3c: {  	s16 =	sadd.s32 $0x40, s16;
	[tilespmem:s13+$0x1830 ss:$0x81] =	vst.msk $0xffff, v3  }
.Ltmp4:
0x3d: {  	_ = 	snop;
	(pc) =	sbr.rel .LBB1_4-.Ltmp4, $1  }
0x3e: {  	_ =	sdelay $0x3  }
.LBB1_6:
0x3f: {  	_ =	sfence.sel $0x180000  }
0x40: {  	s2 =	simm.s32 $0x1;
	[bflag:$0x0] =	sbarrier.arrive $0xFFFF  }
0x41: {  	s31 =	simm.s32 $0x2;
	[sflag:s2] =	ssyncpa.u1 $0x1  }
0x42: {  	[sflag:s31] =	ssyncpa.u1 $0x1  }
0x43: {  	p0 =	sne.s32 s0, $0x0;
	_ =	strace $0x9000004A  }
0x44: {  	s0 =	sadd.s32 @!p0 $0x100000, s1;
	[bflag:$0x2] =	sbarrier.arrive $0xFFFF  }
0x45: {  	[sflag:s0] =	ssyncadd.tile.s32 @!p0 $0x1;
	_ =	shalt  }
.Lfunc_end1:
_tile_overlayer_lowered:
.L_overlay_start_2:
0x46: {  	(tag) =	ssettag $0x2  }
0x47: {  	s0 =	rddreg [dreg:$0x0];
	s2 =	stileid.u32  }
0x48: {  	s1 =	rddreg [dreg:$0x1];
	p0 =	sne.s32 s2, $0x0  }
0x49: {  	s3 =	rddreg [dreg:$0x2];
	[bflag:$0x3] =	sbarrier.arrive $0xFFFF;
	s2 =	simm.s32 @!p0 $0x1C01  }
0x4a: {  	[timem:s3], [sflag:s2] =	dma.local @!p0 [hbm:s0], s1  }
0x4b: {  	s0 =	simm.s32 @!p0 $0x1  }
0x4c: {  	_ =	swait.ge @!p0 [sflag:s0], s1  }
0x4d: {  	s1 =	ssub.s32 @!p0 $0x0, s1;
	[sflag:s0] =	ssyncset.done @!p0 $0x0  }
0x4e: {  	[sflag:s0] =	ssyncadd.s32 @!p0 s1  }
0x4f: {  	[bflag:$0x3] =	sbarrier.arrive $0xFFFF  }
0x50: {  	_ =	shalt  }

</sc_bundles>
